<compile_context>
chip_gen: v7x
topology: tpu7x:2x2x1
jax: 0.10.2.dev20260603
libtpu: 0.0.44.dev20260713+nightly
codegen_flags: <defaults>
</compile_context>

<pallas_src>
import functools

import jax
import jax.numpy as jnp
from jax import lax
from jax.experimental import pallas as pl


def _fold421_lanes(a):
    a = a[:, 0:4] + a[:, 4:8]
    a = a[:, 0:2] + a[:, 2:4]
    return a[:, 0:1] + a[:, 1:2]


def _lane64_reduce(s):
    acc = s[:, 0:8]
    for k in range(1, 8):
        acc = acc + s[:, 8 * k:8 * k + 8]
    return _fold421_lanes(acc)


def _score_body(ids_ref, tok_ref, xs_ref, pos_ref, ker_ref):
    ids = ids_ref[0]
    t = tok_ref[0]
    xs = xs_ref[0]

    mask = (ids >= 0).astype(jnp.float32)
    count = jnp.sum(mask)
    denom = jnp.maximum(count, jnp.float32(1.0))

    parts = []
    for w0 in range(0, 512, 128):
        acc = t[w0:w0 + 8]
        for j in range(w0 + 8, w0 + 128, 8):
            acc = acc + t[j:j + 8]
        a = acc[0:4] + acc[4:8]
        a = a[0:2] + a[2:4]
        parts.append(a[0:1] + a[1:2])
    ksum = parts[0]
    for p in parts[1:]:
        ksum = ksum + p
    kv = ksum / denom
    ker_ref[0] = kv

    kn2 = _lane64_reduce(kv * kv)
    k_norm = jnp.maximum(jnp.sqrt(kn2), jnp.float32(1e-8))

    xst = xs.T
    sq = xst * xst
    accn = sq[0:8]
    for kk in range(1, 8):
        accn = accn + sq[8 * kk:8 * kk + 8]
    a4 = accn[0:4] + accn[4:8]
    a2 = a4[0:2] + a4[2:4]
    xs_n2 = a2[0:1] + a2[1:2]
    xs_norm = jnp.maximum(jnp.sqrt(xs_n2), jnp.float32(1e-8))

    kpad = jnp.concatenate([kv, jnp.zeros((7, 64), jnp.float32)], axis=0)
    dg = lax.dot_general(kpad.astype(jnp.bfloat16), xst.astype(jnp.bfloat16),
                         (((1,), (0,)), ((), ())),
                         preferred_element_type=jnp.float32)
    dots = dg[0:1, :]

    cos = dots / (xs_norm * k_norm)
    pos = (cos + jnp.float32(1.0)) / jnp.float32(2.0)
    gate = (count > 0).astype(jnp.float32)
    pos_ref[0] = pos * gate


def _topk_body(pos_ref, val_ref, idx_ref):
    v0 = pos_ref[...]
    iota = lax.broadcasted_iota(jnp.int32, (16, 2048), 1)
    riota = lax.broadcasted_iota(jnp.int32, (16, 256), 1)

    def _rowmax(v):
        ts = [v[:, 128 * g:128 * (g + 1)] for g in range(16)]
        while len(ts) > 1:
            ts = [jnp.maximum(ts[2 * i], ts[2 * i + 1]) for i in range(len(ts) // 2)]
        return jnp.max(ts[0], axis=1, keepdims=True)

    def _rowmin(v):
        ts = [v[:, 128 * g:128 * (g + 1)] for g in range(16)]
        while len(ts) > 1:
            ts = [jnp.minimum(ts[2 * i], ts[2 * i + 1]) for i in range(len(ts) // 2)]
        return jnp.min(ts[0], axis=1, keepdims=True)

    def body(r, carry):
        v, vals, idxs = carry
        mx = _rowmax(v)
        cand = jnp.where(v == mx, iota, jnp.int32(2048))
        am = _rowmin(cand)
        sel = riota == r
        vals = jnp.where(sel, mx, vals)
        idxs = jnp.where(sel, am, idxs)
        v = jnp.where(iota == am, -jnp.inf, v)
        return v, vals, idxs

    vals0 = jnp.zeros((16, 256), jnp.float32)
    idxs0 = jnp.zeros((16, 256), jnp.int32)
    _, vals, idxs = lax.fori_loop(0, 256, body, (v0, vals0, idxs0))
    val_ref[...] = vals
    idx_ref[...] = idxs


def _onehot_body(idx_ref, val_ref, out_ref):
    idr = idx_ref[0, 0]
    valr = val_ref[0, 0]
    idc = idr.reshape(64, 1)
    vc = valr.reshape(64, 1)
    iota = lax.broadcasted_iota(jnp.int32, (64, 2048), 1)
    oh = (iota == idc) & (vc > 0)
    out_ref[0] = oh.astype(jnp.float32)


def kernel(x_b, x_s, base_idxs):
    B, N, C = x_b.shape
    m = base_idxs.shape[1] // 2
    k = N // 8

    ids = base_idxs[:, :m]
    mask = ids >= 0
    idsc = jnp.where(mask, ids, 0)
    tokens = jnp.take_along_axis(x_b, idsc[:, :, None], axis=1)
    tokens = tokens * mask[:, :, None].astype(x_b.dtype)
    ids3 = ids.reshape(B, 1, m)

    pos3, ker3 = pl.pallas_call(
        _score_body,
        grid=(B,),
        in_specs=[
            pl.BlockSpec((1, 1, m), lambda b: (b, 0, 0)),
            pl.BlockSpec((1, m, C), lambda b: (b, 0, 0)),
            pl.BlockSpec((1, N, C), lambda b: (b, 0, 0)),
        ],
        out_specs=[
            pl.BlockSpec((1, 1, N), lambda b: (b, 0, 0)),
            pl.BlockSpec((1, 1, C), lambda b: (b, 0, 0)),
        ],
        out_shape=[
            jax.ShapeDtypeStruct((B, 1, N), jnp.float32),
            jax.ShapeDtypeStruct((B, 1, C), jnp.float32),
        ],
    )(ids3, tokens, x_s)
    pos_scores = pos3.reshape(B, N)
    kernels = ker3.reshape(B, C)

    topk_val, topk_idx = pl.pallas_call(
        _topk_body,
        out_shape=[
            jax.ShapeDtypeStruct((B, k), jnp.float32),
            jax.ShapeDtypeStruct((B, k), jnp.int32),
        ],
    )(pos_scores)

    idx4 = topk_idx.reshape(B, 4, 1, 64)
    val4 = topk_val.reshape(B, 4, 1, 64)
    selected = pl.pallas_call(
        _onehot_body,
        grid=(B, 4),
        in_specs=[
            pl.BlockSpec((1, 1, 1, 64), lambda b, j: (b, j, 0, 0)),
            pl.BlockSpec((1, 1, 1, 64), lambda b, j: (b, j, 0, 0)),
        ],
        out_specs=pl.BlockSpec((1, 64, N), lambda b, j: (b, j, 0)),
        out_shape=jax.ShapeDtypeStruct((B, k, N), jnp.float32),
    )(idx4, val4)

    return (selected, topk_idx, pos_scores, x_s, kernels[:, :, None])

# --- scband reference (transcript-rebuilt; emitter-appended) ---
"""Pipeline reference for scband-score-block-5222680232109 (READ-ONLY COPY).

The authoritative reference and input builder live on the scoring server;
editing this copy changes nothing except your own understanding.
"""

import jax, jax.numpy as jnp
import numpy as np


def setup_inputs(seed: int = 0) -> dict:
    key = jax.random.key(seed)
    k1, k2, k3 = jax.random.split(key, 3)
    x_b = jax.random.normal(k1, (16, 2048, 64), dtype=jnp.float32)
    x_s = jax.random.normal(k2, (16, 2048, 64), dtype=jnp.float32)
    base_idxs = jax.random.randint(k3, (16, 1024), 0, 2048, dtype=jnp.int32)
    return {"x_b": x_b, "x_s": x_s, "base_idxs": base_idxs}


def reference(x_b, x_s, base_idxs):
    B, n_p = base_idxs.shape
    m = n_p // 2
    pnum_s = x_s.shape[1]
    mask = base_idxs[:, :m] >= 0
    ids = jnp.where(mask, base_idxs[:, :m], 0)
    # batched_index_select over dim 1, then zero out masked-off tokens
    tokens = jnp.take_along_axis(x_b, ids[:, :, None], axis=1) * mask[:, :, None].astype(x_b.dtype)
    count = jnp.sum(mask, axis=1)  # [B]
    # kernel: mean over valid tokens; if no valid tokens, tokens are all zero -> mean is 0
    denom = jnp.maximum(count, 1).astype(x_b.dtype)
    kernels = jnp.sum(tokens, axis=1) / denom[:, None]  # [B, C]
    # cosine similarity along channel dim (eps = 1e-8 as in torch)
    eps = 1e-8
    xs_norm = jnp.maximum(jnp.linalg.norm(x_s, axis=-1), eps)  # [B, pnum_s]
    k_norm = jnp.maximum(jnp.linalg.norm(kernels, axis=-1), eps)  # [B]
    dots = jnp.einsum('bnc,bc->bn', x_s, kernels)
    cos = dots / (xs_norm * k_norm[:, None])
    pos_scores = (cos + 1.0) / 2.0  # norm_0_1
    # batches with no valid base token get score * 0.0
    pos_scores = pos_scores * (count > 0).astype(pos_scores.dtype)[:, None]
    k = pnum_s // 8
    topk_score, index = jax.lax.top_k(pos_scores, k)
    one_hot = jax.nn.one_hot(index, pnum_s, dtype=pos_scores.dtype)  # [B, k, pnum_s]
    selected = topk_score[:, :, None] * one_hot
    binary_selected = (selected > 0.0).astype(selected.dtype)
    # straight-through estimator
    selected = selected + jax.lax.stop_gradient(binary_selected - selected)
    return (selected, index, pos_scores, x_s, kernels[:, :, None])

if __name__ == "__main__":
    import jax
    _d = setup_inputs()
    print(jax.jit(kernel)(*tuple(_d.values())))

</pallas_src>

<mosaic_0001>
module attributes {stable_mosaic.version = 14 : i64} {
  func.func @_score_body(%arg0: i32, %arg1: memref<1x1x512xi32, #tpu.memory_space<vmem>>, %arg2: memref<1x512x64xf32, #tpu.memory_space<vmem>>, %arg3: memref<1x2048x64xf32, #tpu.memory_space<vmem>>, %arg4: memref<1x1x2048xf32, #tpu.memory_space<vmem>>, %arg5: memref<1x1x64xf32, #tpu.memory_space<vmem>>) attributes {dimension_semantics = [#tpu.dimension_semantics<arbitrary>], iteration_bounds = array<i64: 16>, scalar_prefetch = 0 : i64, scratch_operands = 0 : i64, tpu.core_type = #tpu.core_type<tc>, window_params = [{transform_indices = @transform_0, window_bounds = array<i64: 1, 1, 512>}, {transform_indices = @transform_1, window_bounds = array<i64: 1, 512, 64>}, {transform_indices = @transform_2, window_bounds = array<i64: 1, 2048, 64>}, {transform_indices = @transform_3, window_bounds = array<i64: 1, 1, 2048>}, {transform_indices = @transform_4, window_bounds = array<i64: 1, 1, 64>}]} {
    %get3A = arith.constant 0 : index
    %get3A_0 = arith.constant 0 : index
    %get3A_1 = arith.constant 0 : index
    %get3A_2 = vector.load %arg1[%get3A, %get3A_0, %get3A_1] : memref<1x1x512xi32, #tpu.memory_space<vmem>>, vector<1x1x512xi32>
    %get3A_3 = vector.shape_cast %get3A_2 : vector<1x1x512xi32> to vector<1x512xi32>
    %get3A_4 = arith.constant 0 : index
    %get3A_5 = arith.constant 0 : index
    %get3A_6 = arith.constant 0 : index
    %get3A_7 = vector.load %arg2[%get3A_4, %get3A_5, %get3A_6] : memref<1x512x64xf32, #tpu.memory_space<vmem>>, vector<1x512x64xf32>
    %get3A_8 = vector.shape_cast %get3A_7 : vector<1x512x64xf32> to vector<512x64xf32>
    %get3A_9 = arith.constant 0 : index
    %get3A_10 = arith.constant 0 : index
    %get3A_11 = arith.constant 0 : index
    %get3A_12 = vector.load %arg3[%get3A_9, %get3A_10, %get3A_11] : memref<1x2048x64xf32, #tpu.memory_space<vmem>>, vector<1x2048x64xf32>
    %get3A_13 = vector.shape_cast %get3A_12 : vector<1x2048x64xf32> to vector<2048x64xf32>
    %ge3A = arith.constant 0 : i32
    %ge3A_14 = vector.broadcast %ge3A : i32 to vector<1x512xi32>
    %ge3A_15 = arith.cmpi sge, %get3A_3, %ge3A_14 : vector<1x512xi32>
    %convert_element_type3A = arith.extui %ge3A_15 : vector<1x512xi1> to vector<1x512xi32>
    %convert_element_type3A_16 = arith.sitofp %convert_element_type3A : vector<1x512xi32> to vector<1x512xf32>
    %reduce_sum3A = vector.shape_cast %convert_element_type3A_16 : vector<1x512xf32> to vector<1x1x512xf32>
    %reduce_sum3A_17 = arith.constant dense<0.000000e+00> : vector<1xf32>
    %reduce_sum3A_18 = vector.multi_reduction <add>, %reduce_sum3A, %reduce_sum3A_17 [1, 2] : vector<1x1x512xf32> to vector<1xf32>
    %reduce_sum3A_19 = vector.shape_cast %reduce_sum3A_18 : vector<1xf32> to vector<1x1x1xf32>
    %reduce_sum3A_20 = vector.extract %reduce_sum3A_19[0, 0, 0] : f32 from vector<1x1x1xf32>
    %max3A = arith.constant 1.000000e+00 : f32
    %max3A_21 = arith.maximumf %reduce_sum3A_20, %max3A : f32
    %slice3A = vector.extract_strided_slice %get3A_8 {offsets = [0, 0], sizes = [8, 64], strides = [1, 1]} : vector<512x64xf32> to vector<8x64xf32>
    %slice3A_22 = vector.extract_strided_slice %get3A_8 {offsets = [8, 0], sizes = [8, 64], strides = [1, 1]} : vector<512x64xf32> to vector<8x64xf32>
    %add3A = arith.addf %slice3A, %slice3A_22 : vector<8x64xf32>
    %slice3A_23 = vector.extract_strided_slice %get3A_8 {offsets = [16, 0], sizes = [8, 64], strides = [1, 1]} : vector<512x64xf32> to vector<8x64xf32>
    %add3A_24 = arith.addf %add3A, %slice3A_23 : vector<8x64xf32>
    %slice3A_25 = vector.extract_strided_slice %get3A_8 {offsets = [24, 0], sizes = [8, 64], strides = [1, 1]} : vector<512x64xf32> to vector<8x64xf32>
    %add3A_26 = arith.addf %add3A_24, %slice3A_25 : vector<8x64xf32>
    %slice3A_27 = vector.extract_strided_slice %get3A_8 {offsets = [32, 0], sizes = [8, 64], strides = [1, 1]} : vector<512x64xf32> to vector<8x64xf32>
    %add3A_28 = arith.addf %add3A_26, %slice3A_27 : vector<8x64xf32>
    %slice3A_29 = vector.extract_strided_slice %get3A_8 {offsets = [40, 0], sizes = [8, 64], strides = [1, 1]} : vector<512x64xf32> to vector<8x64xf32>
    %add3A_30 = arith.addf %add3A_28, %slice3A_29 : vector<8x64xf32>
    %slice3A_31 = vector.extract_strided_slice %get3A_8 {offsets = [48, 0], sizes = [8, 64], strides = [1, 1]} : vector<512x64xf32> to vector<8x64xf32>
    %add3A_32 = arith.addf %add3A_30, %slice3A_31 : vector<8x64xf32>
    %slice3A_33 = vector.extract_strided_slice %get3A_8 {offsets = [56, 0], sizes = [8, 64], strides = [1, 1]} : vector<512x64xf32> to vector<8x64xf32>
    %add3A_34 = arith.addf %add3A_32, %slice3A_33 : vector<8x64xf32>
    %slice3A_35 = vector.extract_strided_slice %get3A_8 {offsets = [64, 0], sizes = [8, 64], strides = [1, 1]} : vector<512x64xf32> to vector<8x64xf32>
    %add3A_36 = arith.addf %add3A_34, %slice3A_35 : vector<8x64xf32>
    %slice3A_37 = vector.extract_strided_slice %get3A_8 {offsets = [72, 0], sizes = [8, 64], strides = [1, 1]} : vector<512x64xf32> to vector<8x64xf32>
    %add3A_38 = arith.addf %add3A_36, %slice3A_37 : vector<8x64xf32>
    %slice3A_39 = vector.extract_strided_slice %get3A_8 {offsets = [80, 0], sizes = [8, 64], strides = [1, 1]} : vector<512x64xf32> to vector<8x64xf32>
    %add3A_40 = arith.addf %add3A_38, %slice3A_39 : vector<8x64xf32>
    %slice3A_41 = vector.extract_strided_slice %get3A_8 {offsets = [88, 0], sizes = [8, 64], strides = [1, 1]} : vector<512x64xf32> to vector<8x64xf32>
    %add3A_42 = arith.addf %add3A_40, %slice3A_41 : vector<8x64xf32>
    %slice3A_43 = vector.extract_strided_slice %get3A_8 {offsets = [96, 0], sizes = [8, 64], strides = [1, 1]} : vector<512x64xf32> to vector<8x64xf32>
    %add3A_44 = arith.addf %add3A_42, %slice3A_43 : vector<8x64xf32>
    %slice3A_45 = vector.extract_strided_slice %get3A_8 {offsets = [104, 0], sizes = [8, 64], strides = [1, 1]} : vector<512x64xf32> to vector<8x64xf32>
    %add3A_46 = arith.addf %add3A_44, %slice3A_45 : vector<8x64xf32>
    %slice3A_47 = vector.extract_strided_slice %get3A_8 {offsets = [112, 0], sizes = [8, 64], strides = [1, 1]} : vector<512x64xf32> to vector<8x64xf32>
    %add3A_48 = arith.addf %add3A_46, %slice3A_47 : vector<8x64xf32>
    %slice3A_49 = vector.extract_strided_slice %get3A_8 {offsets = [120, 0], sizes = [8, 64], strides = [1, 1]} : vector<512x64xf32> to vector<8x64xf32>
    %add3A_50 = arith.addf %add3A_48, %slice3A_49 : vector<8x64xf32>
    %slice3A_51 = vector.extract_strided_slice %add3A_50 {offsets = [0, 0], sizes = [4, 64], strides = [1, 1]} : vector<8x64xf32> to vector<4x64xf32>
    %slice3A_52 = vector.extract_strided_slice %add3A_50 {offsets = [4, 0], sizes = [4, 64], strides = [1, 1]} : vector<8x64xf32> to vector<4x64xf32>
    %add3A_53 = arith.addf %slice3A_51, %slice3A_52 : vector<4x64xf32>
    %slice3A_54 = vector.extract_strided_slice %add3A_53 {offsets = [0, 0], sizes = [2, 64], strides = [1, 1]} : vector<4x64xf32> to vector<2x64xf32>
    %slice3A_55 = vector.extract_strided_slice %add3A_53 {offsets = [2, 0], sizes = [2, 64], strides = [1, 1]} : vector<4x64xf32> to vector<2x64xf32>
    %add3A_56 = arith.addf %slice3A_54, %slice3A_55 : vector<2x64xf32>
    %slice3A_57 = vector.extract_strided_slice %add3A_56 {offsets = [0, 0], sizes = [1, 64], strides = [1, 1]} : vector<2x64xf32> to vector<1x64xf32>
    %slice3A_58 = vector.extract_strided_slice %add3A_56 {offsets = [1, 0], sizes = [1, 64], strides = [1, 1]} : vector<2x64xf32> to vector<1x64xf32>
    %add3A_59 = arith.addf %slice3A_57, %slice3A_58 : vector<1x64xf32>
    %slice3A_60 = vector.extract_strided_slice %get3A_8 {offsets = [128, 0], sizes = [8, 64], strides = [1, 1]} : vector<512x64xf32> to vector<8x64xf32>
    %slice3A_61 = vector.extract_strided_slice %get3A_8 {offsets = [136, 0], sizes = [8, 64], strides = [1, 1]} : vector<512x64xf32> to vector<8x64xf32>
    %add3A_62 = arith.addf %slice3A_60, %slice3A_61 : vector<8x64xf32>
    %slice3A_63 = vector.extract_strided_slice %get3A_8 {offsets = [144, 0], sizes = [8, 64], strides = [1, 1]} : vector<512x64xf32> to vector<8x64xf32>
    %add3A_64 = arith.addf %add3A_62, %slice3A_63 : vector<8x64xf32>
    %slice3A_65 = vector.extract_strided_slice %get3A_8 {offsets = [152, 0], sizes = [8, 64], strides = [1, 1]} : vector<512x64xf32> to vector<8x64xf32>
    %add3A_66 = arith.addf %add3A_64, %slice3A_65 : vector<8x64xf32>
    %slice3A_67 = vector.extract_strided_slice %get3A_8 {offsets = [160, 0], sizes = [8, 64], strides = [1, 1]} : vector<512x64xf32> to vector<8x64xf32>
    %add3A_68 = arith.addf %add3A_66, %slice3A_67 : vector<8x64xf32>
    %slice3A_69 = vector.extract_strided_slice %get3A_8 {offsets = [168, 0], sizes = [8, 64], strides = [1, 1]} : vector<512x64xf32> to vector<8x64xf32>
    %add3A_70 = arith.addf %add3A_68, %slice3A_69 : vector<8x64xf32>
    %slice3A_71 = vector.extract_strided_slice %get3A_8 {offsets = [176, 0], sizes = [8, 64], strides = [1, 1]} : vector<512x64xf32> to vector<8x64xf32>
    %add3A_72 = arith.addf %add3A_70, %slice3A_71 : vector<8x64xf32>
    %slice3A_73 = vector.extract_strided_slice %get3A_8 {offsets = [184, 0], sizes = [8, 64], strides = [1, 1]} : vector<512x64xf32> to vector<8x64xf32>
    %add3A_74 = arith.addf %add3A_72, %slice3A_73 : vector<8x64xf32>
    %slice3A_75 = vector.extract_strided_slice %get3A_8 {offsets = [192, 0], sizes = [8, 64], strides = [1, 1]} : vector<512x64xf32> to vector<8x64xf32>
    %add3A_76 = arith.addf %add3A_74, %slice3A_75 : vector<8x64xf32>
    %slice3A_77 = vector.extract_strided_slice %get3A_8 {offsets = [200, 0], sizes = [8, 64], strides = [1, 1]} : vector<512x64xf32> to vector<8x64xf32>
    %add3A_78 = arith.addf %add3A_76, %slice3A_77 : vector<8x64xf32>
    %slice3A_79 = vector.extract_strided_slice %get3A_8 {offsets = [208, 0], sizes = [8, 64], strides = [1, 1]} : vector<512x64xf32> to vector<8x64xf32>
    %add3A_80 = arith.addf %add3A_78, %slice3A_79 : vector<8x64xf32>
    %slice3A_81 = vector.extract_strided_slice %get3A_8 {offsets = [216, 0], sizes = [8, 64], strides = [1, 1]} : vector<512x64xf32> to vector<8x64xf32>
    %add3A_82 = arith.addf %add3A_80, %slice3A_81 : vector<8x64xf32>
    %slice3A_83 = vector.extract_strided_slice %get3A_8 {offsets = [224, 0], sizes = [8, 64], strides = [1, 1]} : vector<512x64xf32> to vector<8x64xf32>
    %add3A_84 = arith.addf %add3A_82, %slice3A_83 : vector<8x64xf32>
    %slice3A_85 = vector.extract_strided_slice %get3A_8 {offsets = [232, 0], sizes = [8, 64], strides = [1, 1]} : vector<512x64xf32> to vector<8x64xf32>
    %add3A_86 = arith.addf %add3A_84, %slice3A_85 : vector<8x64xf32>
    %slice3A_87 = vector.extract_strided_slice %get3A_8 {offsets = [240, 0], sizes = [8, 64], strides = [1, 1]} : vector<512x64xf32> to vector<8x64xf32>
    %add3A_88 = arith.addf %add3A_86, %slice3A_87 : vector<8x64xf32>
    %slice3A_89 = vector.extract_strided_slice %get3A_8 {offsets = [248, 0], sizes = [8, 64], strides = [1, 1]} : vector<512x64xf32> to vector<8x64xf32>
    %add3A_90 = arith.addf %add3A_88, %slice3A_89 : vector<8x64xf32>
    %slice3A_91 = vector.extract_strided_slice %add3A_90 {offsets = [0, 0], sizes = [4, 64], strides = [1, 1]} : vector<8x64xf32> to vector<4x64xf32>
    %slice3A_92 = vector.extract_strided_slice %add3A_90 {offsets = [4, 0], sizes = [4, 64], strides = [1, 1]} : vector<8x64xf32> to vector<4x64xf32>
    %add3A_93 = arith.addf %slice3A_91, %slice3A_92 : vector<4x64xf32>
    %slice3A_94 = vector.extract_strided_slice %add3A_93 {offsets = [0, 0], sizes = [2, 64], strides = [1, 1]} : vector<4x64xf32> to vector<2x64xf32>
    %slice3A_95 = vector.extract_strided_slice %add3A_93 {offsets = [2, 0], sizes = [2, 64], strides = [1, 1]} : vector<4x64xf32> to vector<2x64xf32>
    %add3A_96 = arith.addf %slice3A_94, %slice3A_95 : vector<2x64xf32>
    %slice3A_97 = vector.extract_strided_slice %add3A_96 {offsets = [0, 0], sizes = [1, 64], strides = [1, 1]} : vector<2x64xf32> to vector<1x64xf32>
    %slice3A_98 = vector.extract_strided_slice %add3A_96 {offsets = [1, 0], sizes = [1, 64], strides = [1, 1]} : vector<2x64xf32> to vector<1x64xf32>
    %add3A_99 = arith.addf %slice3A_97, %slice3A_98 : vector<1x64xf32>
    %slice3A_100 = vector.extract_strided_slice %get3A_8 {offsets = [256, 0], sizes = [8, 64], strides = [1, 1]} : vector<512x64xf32> to vector<8x64xf32>
    %slice3A_101 = vector.extract_strided_slice %get3A_8 {offsets = [264, 0], sizes = [8, 64], strides = [1, 1]} : vector<512x64xf32> to vector<8x64xf32>
    %add3A_102 = arith.addf %slice3A_100, %slice3A_101 : vector<8x64xf32>
    %slice3A_103 = vector.extract_strided_slice %get3A_8 {offsets = [272, 0], sizes = [8, 64], strides = [1, 1]} : vector<512x64xf32> to vector<8x64xf32>
    %add3A_104 = arith.addf %add3A_102, %slice3A_103 : vector<8x64xf32>
    %slice3A_105 = vector.extract_strided_slice %get3A_8 {offsets = [280, 0], sizes = [8, 64], strides = [1, 1]} : vector<512x64xf32> to vector<8x64xf32>
    %add3A_106 = arith.addf %add3A_104, %slice3A_105 : vector<8x64xf32>
    %slice3A_107 = vector.extract_strided_slice %get3A_8 {offsets = [288, 0], sizes = [8, 64], strides = [1, 1]} : vector<512x64xf32> to vector<8x64xf32>
    %add3A_108 = arith.addf %add3A_106, %slice3A_107 : vector<8x64xf32>
    %slice3A_109 = vector.extract_strided_slice %get3A_8 {offsets = [296, 0], sizes = [8, 64], strides = [1, 1]} : vector<512x64xf32> to vector<8x64xf32>
    %add3A_110 = arith.addf %add3A_108, %slice3A_109 : vector<8x64xf32>
    %slice3A_111 = vector.extract_strided_slice %get3A_8 {offsets = [304, 0], sizes = [8, 64], strides = [1, 1]} : vector<512x64xf32> to vector<8x64xf32>
    %add3A_112 = arith.addf %add3A_110, %slice3A_111 : vector<8x64xf32>
    %slice3A_113 = vector.extract_strided_slice %get3A_8 {offsets = [312, 0], sizes = [8, 64], strides = [1, 1]} : vector<512x64xf32> to vector<8x64xf32>
    %add3A_114 = arith.addf %add3A_112, %slice3A_113 : vector<8x64xf32>
    %slice3A_115 = vector.extract_strided_slice %get3A_8 {offsets = [320, 0], sizes = [8, 64], strides = [1, 1]} : vector<512x64xf32> to vector<8x64xf32>
    %add3A_116 = arith.addf %add3A_114, %slice3A_115 : vector<8x64xf32>
    %slice3A_117 = vector.extract_strided_slice %get3A_8 {offsets = [328, 0], sizes = [8, 64], strides = [1, 1]} : vector<512x64xf32> to vector<8x64xf32>
    %add3A_118 = arith.addf %add3A_116, %slice3A_117 : vector<8x64xf32>
    %slice3A_119 = vector.extract_strided_slice %get3A_8 {offsets = [336, 0], sizes = [8, 64], strides = [1, 1]} : vector<512x64xf32> to vector<8x64xf32>
    %add3A_120 = arith.addf %add3A_118, %slice3A_119 : vector<8x64xf32>
    %slice3A_121 = vector.extract_strided_slice %get3A_8 {offsets = [344, 0], sizes = [8, 64], strides = [1, 1]} : vector<512x64xf32> to vector<8x64xf32>
    %add3A_122 = arith.addf %add3A_120, %slice3A_121 : vector<8x64xf32>
    %slice3A_123 = vector.extract_strided_slice %get3A_8 {offsets = [352, 0], sizes = [8, 64], strides = [1, 1]} : vector<512x64xf32> to vector<8x64xf32>
    %add3A_124 = arith.addf %add3A_122, %slice3A_123 : vector<8x64xf32>
    %slice3A_125 = vector.extract_strided_slice %get3A_8 {offsets = [360, 0], sizes = [8, 64], strides = [1, 1]} : vector<512x64xf32> to vector<8x64xf32>
    %add3A_126 = arith.addf %add3A_124, %slice3A_125 : vector<8x64xf32>
    %slice3A_127 = vector.extract_strided_slice %get3A_8 {offsets = [368, 0], sizes = [8, 64], strides = [1, 1]} : vector<512x64xf32> to vector<8x64xf32>
    %add3A_128 = arith.addf %add3A_126, %slice3A_127 : vector<8x64xf32>
    %slice3A_129 = vector.extract_strided_slice %get3A_8 {offsets = [376, 0], sizes = [8, 64], strides = [1, 1]} : vector<512x64xf32> to vector<8x64xf32>
    %add3A_130 = arith.addf %add3A_128, %slice3A_129 : vector<8x64xf32>
    %slice3A_131 = vector.extract_strided_slice %add3A_130 {offsets = [0, 0], sizes = [4, 64], strides = [1, 1]} : vector<8x64xf32> to vector<4x64xf32>
    %slice3A_132 = vector.extract_strided_slice %add3A_130 {offsets = [4, 0], sizes = [4, 64], strides = [1, 1]} : vector<8x64xf32> to vector<4x64xf32>
    %add3A_133 = arith.addf %slice3A_131, %slice3A_132 : vector<4x64xf32>
    %slice3A_134 = vector.extract_strided_slice %add3A_133 {offsets = [0, 0], sizes = [2, 64], strides = [1, 1]} : vector<4x64xf32> to vector<2x64xf32>
    %slice3A_135 = vector.extract_strided_slice %add3A_133 {offsets = [2, 0], sizes = [2, 64], strides = [1, 1]} : vector<4x64xf32> to vector<2x64xf32>
    %add3A_136 = arith.addf %slice3A_134, %slice3A_135 : vector<2x64xf32>
    %slice3A_137 = vector.extract_strided_slice %add3A_136 {offsets = [0, 0], sizes = [1, 64], strides = [1, 1]} : vector<2x64xf32> to vector<1x64xf32>
    %slice3A_138 = vector.extract_strided_slice %add3A_136 {offsets = [1, 0], sizes = [1, 64], strides = [1, 1]} : vector<2x64xf32> to vector<1x64xf32>
    %add3A_139 = arith.addf %slice3A_137, %slice3A_138 : vector<1x64xf32>
    %slice3A_140 = vector.extract_strided_slice %get3A_8 {offsets = [384, 0], sizes = [8, 64], strides = [1, 1]} : vector<512x64xf32> to vector<8x64xf32>
    %slice3A_141 = vector.extract_strided_slice %get3A_8 {offsets = [392, 0], sizes = [8, 64], strides = [1, 1]} : vector<512x64xf32> to vector<8x64xf32>
    %add3A_142 = arith.addf %slice3A_140, %slice3A_141 : vector<8x64xf32>
    %slice3A_143 = vector.extract_strided_slice %get3A_8 {offsets = [400, 0], sizes = [8, 64], strides = [1, 1]} : vector<512x64xf32> to vector<8x64xf32>
    %add3A_144 = arith.addf %add3A_142, %slice3A_143 : vector<8x64xf32>
    %slice3A_145 = vector.extract_strided_slice %get3A_8 {offsets = [408, 0], sizes = [8, 64], strides = [1, 1]} : vector<512x64xf32> to vector<8x64xf32>
    %add3A_146 = arith.addf %add3A_144, %slice3A_145 : vector<8x64xf32>
    %slice3A_147 = vector.extract_strided_slice %get3A_8 {offsets = [416, 0], sizes = [8, 64], strides = [1, 1]} : vector<512x64xf32> to vector<8x64xf32>
    %add3A_148 = arith.addf %add3A_146, %slice3A_147 : vector<8x64xf32>
    %slice3A_149 = vector.extract_strided_slice %get3A_8 {offsets = [424, 0], sizes = [8, 64], strides = [1, 1]} : vector<512x64xf32> to vector<8x64xf32>
    %add3A_150 = arith.addf %add3A_148, %slice3A_149 : vector<8x64xf32>
    %slice3A_151 = vector.extract_strided_slice %get3A_8 {offsets = [432, 0], sizes = [8, 64], strides = [1, 1]} : vector<512x64xf32> to vector<8x64xf32>
    %add3A_152 = arith.addf %add3A_150, %slice3A_151 : vector<8x64xf32>
    %slice3A_153 = vector.extract_strided_slice %get3A_8 {offsets = [440, 0], sizes = [8, 64], strides = [1, 1]} : vector<512x64xf32> to vector<8x64xf32>
    %add3A_154 = arith.addf %add3A_152, %slice3A_153 : vector<8x64xf32>
    %slice3A_155 = vector.extract_strided_slice %get3A_8 {offsets = [448, 0], sizes = [8, 64], strides = [1, 1]} : vector<512x64xf32> to vector<8x64xf32>
    %add3A_156 = arith.addf %add3A_154, %slice3A_155 : vector<8x64xf32>
    %slice3A_157 = vector.extract_strided_slice %get3A_8 {offsets = [456, 0], sizes = [8, 64], strides = [1, 1]} : vector<512x64xf32> to vector<8x64xf32>
    %add3A_158 = arith.addf %add3A_156, %slice3A_157 : vector<8x64xf32>
    %slice3A_159 = vector.extract_strided_slice %get3A_8 {offsets = [464, 0], sizes = [8, 64], strides = [1, 1]} : vector<512x64xf32> to vector<8x64xf32>
    %add3A_160 = arith.addf %add3A_158, %slice3A_159 : vector<8x64xf32>
    %slice3A_161 = vector.extract_strided_slice %get3A_8 {offsets = [472, 0], sizes = [8, 64], strides = [1, 1]} : vector<512x64xf32> to vector<8x64xf32>
    %add3A_162 = arith.addf %add3A_160, %slice3A_161 : vector<8x64xf32>
    %slice3A_163 = vector.extract_strided_slice %get3A_8 {offsets = [480, 0], sizes = [8, 64], strides = [1, 1]} : vector<512x64xf32> to vector<8x64xf32>
    %add3A_164 = arith.addf %add3A_162, %slice3A_163 : vector<8x64xf32>
    %slice3A_165 = vector.extract_strided_slice %get3A_8 {offsets = [488, 0], sizes = [8, 64], strides = [1, 1]} : vector<512x64xf32> to vector<8x64xf32>
    %add3A_166 = arith.addf %add3A_164, %slice3A_165 : vector<8x64xf32>
    %slice3A_167 = vector.extract_strided_slice %get3A_8 {offsets = [496, 0], sizes = [8, 64], strides = [1, 1]} : vector<512x64xf32> to vector<8x64xf32>
    %add3A_168 = arith.addf %add3A_166, %slice3A_167 : vector<8x64xf32>
    %slice3A_169 = vector.extract_strided_slice %get3A_8 {offsets = [504, 0], sizes = [8, 64], strides = [1, 1]} : vector<512x64xf32> to vector<8x64xf32>
    %add3A_170 = arith.addf %add3A_168, %slice3A_169 : vector<8x64xf32>
    %slice3A_171 = vector.extract_strided_slice %add3A_170 {offsets = [0, 0], sizes = [4, 64], strides = [1, 1]} : vector<8x64xf32> to vector<4x64xf32>
    %slice3A_172 = vector.extract_strided_slice %add3A_170 {offsets = [4, 0], sizes = [4, 64], strides = [1, 1]} : vector<8x64xf32> to vector<4x64xf32>
    %add3A_173 = arith.addf %slice3A_171, %slice3A_172 : vector<4x64xf32>
    %slice3A_174 = vector.extract_strided_slice %add3A_173 {offsets = [0, 0], sizes = [2, 64], strides = [1, 1]} : vector<4x64xf32> to vector<2x64xf32>
    %slice3A_175 = vector.extract_strided_slice %add3A_173 {offsets = [2, 0], sizes = [2, 64], strides = [1, 1]} : vector<4x64xf32> to vector<2x64xf32>
    %add3A_176 = arith.addf %slice3A_174, %slice3A_175 : vector<2x64xf32>
    %slice3A_177 = vector.extract_strided_slice %add3A_176 {offsets = [0, 0], sizes = [1, 64], strides = [1, 1]} : vector<2x64xf32> to vector<1x64xf32>
    %slice3A_178 = vector.extract_strided_slice %add3A_176 {offsets = [1, 0], sizes = [1, 64], strides = [1, 1]} : vector<2x64xf32> to vector<1x64xf32>
    %add3A_179 = arith.addf %slice3A_177, %slice3A_178 : vector<1x64xf32>
    %add3A_180 = arith.addf %add3A_59, %add3A_99 : vector<1x64xf32>
    %add3A_181 = arith.addf %add3A_180, %add3A_139 : vector<1x64xf32>
    %add3A_182 = arith.addf %add3A_181, %add3A_179 : vector<1x64xf32>
    %div3A = vector.broadcast %max3A_21 : f32 to vector<1x64xf32>
    %div3A_183 = arith.divf %add3A_182, %div3A : vector<1x64xf32>
    %swap3A = arith.constant 0 : index
    %swap3A_184 = arith.constant 0 : index
    %swap3A_185 = arith.constant 0 : index
    %swap3A_186 = vector.load %arg5[%swap3A, %swap3A_184, %swap3A_185] : memref<1x1x64xf32, #tpu.memory_space<vmem>>, vector<1x1x64xf32>
    %swap3A_187 = vector.shape_cast %swap3A_186 : vector<1x1x64xf32> to vector<1x64xf32>
    %swap3A_188 = vector.shape_cast %div3A_183 : vector<1x64xf32> to vector<1x1x64xf32>
    tpu.vector_store %arg5[%swap3A, %swap3A_184, %swap3A_185], %swap3A_188 {strides = array<i32>} : memref<1x1x64xf32, #tpu.memory_space<vmem>>, vector<1x1x64xf32>,
    %mul3A = arith.mulf %div3A_183, %div3A_183 : vector<1x64xf32>
    %slice3A_189 = vector.extract_strided_slice %mul3A {offsets = [0, 0], sizes = [1, 8], strides = [1, 1]} : vector<1x64xf32> to vector<1x8xf32>
    %slice3A_190 = vector.extract_strided_slice %mul3A {offsets = [0, 8], sizes = [1, 8], strides = [1, 1]} : vector<1x64xf32> to vector<1x8xf32>
    %add3A_191 = arith.addf %slice3A_189, %slice3A_190 : vector<1x8xf32>
    %slice3A_192 = vector.extract_strided_slice %mul3A {offsets = [0, 16], sizes = [1, 8], strides = [1, 1]} : vector<1x64xf32> to vector<1x8xf32>
    %add3A_193 = arith.addf %add3A_191, %slice3A_192 : vector<1x8xf32>
    %slice3A_194 = vector.extract_strided_slice %mul3A {offsets = [0, 24], sizes = [1, 8], strides = [1, 1]} : vector<1x64xf32> to vector<1x8xf32>
    %add3A_195 = arith.addf %add3A_193, %slice3A_194 : vector<1x8xf32>
    %slice3A_196 = vector.extract_strided_slice %mul3A {offsets = [0, 32], sizes = [1, 8], strides = [1, 1]} : vector<1x64xf32> to vector<1x8xf32>
    %add3A_197 = arith.addf %add3A_195, %slice3A_196 : vector<1x8xf32>
    %slice3A_198 = vector.extract_strided_slice %mul3A {offsets = [0, 40], sizes = [1, 8], strides = [1, 1]} : vector<1x64xf32> to vector<1x8xf32>
    %add3A_199 = arith.addf %add3A_197, %slice3A_198 : vector<1x8xf32>
    %slice3A_200 = vector.extract_strided_slice %mul3A {offsets = [0, 48], sizes = [1, 8], strides = [1, 1]} : vector<1x64xf32> to vector<1x8xf32>
    %add3A_201 = arith.addf %add3A_199, %slice3A_200 : vector<1x8xf32>
    %slice3A_202 = vector.extract_strided_slice %mul3A {offsets = [0, 56], sizes = [1, 8], strides = [1, 1]} : vector<1x64xf32> to vector<1x8xf32>
    %add3A_203 = arith.addf %add3A_201, %slice3A_202 : vector<1x8xf32>
    %slice3A_204 = vector.extract_strided_slice %add3A_203 {offsets = [0, 0], sizes = [1, 4], strides = [1, 1]} : vector<1x8xf32> to vector<1x4xf32>
    %slice3A_205 = vector.extract_strided_slice %add3A_203 {offsets = [0, 4], sizes = [1, 4], strides = [1, 1]} : vector<1x8xf32> to vector<1x4xf32>
    %add3A_206 = arith.addf %slice3A_204, %slice3A_205 : vector<1x4xf32>
    %slice3A_207 = vector.extract_strided_slice %add3A_206 {offsets = [0, 0], sizes = [1, 2], strides = [1, 1]} : vector<1x4xf32> to vector<1x2xf32>
    %slice3A_208 = vector.extract_strided_slice %add3A_206 {offsets = [0, 2], sizes = [1, 2], strides = [1, 1]} : vector<1x4xf32> to vector<1x2xf32>
    %add3A_209 = arith.addf %slice3A_207, %slice3A_208 : vector<1x2xf32>
    %slice3A_210 = vector.extract_strided_slice %add3A_209 {offsets = [0, 0], sizes = [1, 1], strides = [1, 1]} : vector<1x2xf32> to vector<1x1xf32>
    %slice3A_211 = vector.extract_strided_slice %add3A_209 {offsets = [0, 1], sizes = [1, 1], strides = [1, 1]} : vector<1x2xf32> to vector<1x1xf32>
    %add3A_212 = arith.addf %slice3A_210, %slice3A_211 : vector<1x1xf32>
    %sqrt3A = math.sqrt %add3A_212 : vector<1x1xf32>
    %max3A_213 = arith.constant 9.99999993E-9 : f32
    %max3A_214 = vector.broadcast %max3A_213 : f32 to vector<1x1xf32>
    %max3A_215 = arith.maximumf %sqrt3A, %max3A_214 : vector<1x1xf32>
    %transpose3A = tpu.transpose %get3A_13, [1, 0] : vector<2048x64xf32> -> vector<64x2048xf32>
    %mul3A_216 = arith.mulf %transpose3A, %transpose3A : vector<64x2048xf32>
    %slice3A_217 = vector.extract_strided_slice %mul3A_216 {offsets = [0, 0], sizes = [8, 2048], strides = [1, 1]} : vector<64x2048xf32> to vector<8x2048xf32>
    %slice3A_218 = vector.extract_strided_slice %mul3A_216 {offsets = [8, 0], sizes = [8, 2048], strides = [1, 1]} : vector<64x2048xf32> to vector<8x2048xf32>
    %add3A_219 = arith.addf %slice3A_217, %slice3A_218 : vector<8x2048xf32>
    %slice3A_220 = vector.extract_strided_slice %mul3A_216 {offsets = [16, 0], sizes = [8, 2048], strides = [1, 1]} : vector<64x2048xf32> to vector<8x2048xf32>
    %add3A_221 = arith.addf %add3A_219, %slice3A_220 : vector<8x2048xf32>
    %slice3A_222 = vector.extract_strided_slice %mul3A_216 {offsets = [24, 0], sizes = [8, 2048], strides = [1, 1]} : vector<64x2048xf32> to vector<8x2048xf32>
    %add3A_223 = arith.addf %add3A_221, %slice3A_222 : vector<8x2048xf32>
    %slice3A_224 = vector.extract_strided_slice %mul3A_216 {offsets = [32, 0], sizes = [8, 2048], strides = [1, 1]} : vector<64x2048xf32> to vector<8x2048xf32>
    %add3A_225 = arith.addf %add3A_223, %slice3A_224 : vector<8x2048xf32>
    %slice3A_226 = vector.extract_strided_slice %mul3A_216 {offsets = [40, 0], sizes = [8, 2048], strides = [1, 1]} : vector<64x2048xf32> to vector<8x2048xf32>
    %add3A_227 = arith.addf %add3A_225, %slice3A_226 : vector<8x2048xf32>
    %slice3A_228 = vector.extract_strided_slice %mul3A_216 {offsets = [48, 0], sizes = [8, 2048], strides = [1, 1]} : vector<64x2048xf32> to vector<8x2048xf32>
    %add3A_229 = arith.addf %add3A_227, %slice3A_228 : vector<8x2048xf32>
    %slice3A_230 = vector.extract_strided_slice %mul3A_216 {offsets = [56, 0], sizes = [8, 2048], strides = [1, 1]} : vector<64x2048xf32> to vector<8x2048xf32>
    %add3A_231 = arith.addf %add3A_229, %slice3A_230 : vector<8x2048xf32>
    %slice3A_232 = vector.extract_strided_slice %add3A_231 {offsets = [0, 0], sizes = [4, 2048], strides = [1, 1]} : vector<8x2048xf32> to vector<4x2048xf32>
    %slice3A_233 = vector.extract_strided_slice %add3A_231 {offsets = [4, 0], sizes = [4, 2048], strides = [1, 1]} : vector<8x2048xf32> to vector<4x2048xf32>
    %add3A_234 = arith.addf %slice3A_232, %slice3A_233 : vector<4x2048xf32>
    %slice3A_235 = vector.extract_strided_slice %add3A_234 {offsets = [0, 0], sizes = [2, 2048], strides = [1, 1]} : vector<4x2048xf32> to vector<2x2048xf32>
    %slice3A_236 = vector.extract_strided_slice %add3A_234 {offsets = [2, 0], sizes = [2, 2048], strides = [1, 1]} : vector<4x2048xf32> to vector<2x2048xf32>
    %add3A_237 = arith.addf %slice3A_235, %slice3A_236 : vector<2x2048xf32>
    %slice3A_238 = vector.extract_strided_slice %add3A_237 {offsets = [0, 0], sizes = [1, 2048], strides = [1, 1]} : vector<2x2048xf32> to vector<1x2048xf32>
    %slice3A_239 = vector.extract_strided_slice %add3A_237 {offsets = [1, 0], sizes = [1, 2048], strides = [1, 1]} : vector<2x2048xf32> to vector<1x2048xf32>
    %add3A_240 = arith.addf %slice3A_238, %slice3A_239 : vector<1x2048xf32>
    %sqrt3A_241 = math.sqrt %add3A_240 : vector<1x2048xf32>
    %max3A_242 = arith.constant 9.99999993E-9 : f32
    %max3A_243 = vector.broadcast %max3A_242 : f32 to vector<1x2048xf32>
    %max3A_244 = arith.maximumf %sqrt3A_241, %max3A_243 : vector<1x2048xf32>
    %broadcast_in_dim3A = arith.constant 0.000000e+00 : f32
    %broadcast_in_dim3A_245 = vector.broadcast %broadcast_in_dim3A : f32 to vector<7x64xf32>
    %concatenate3A = tpu.concatenate %div3A_183, %broadcast_in_dim3A_245 in 0 : vector<1x64xf32>, vector<7x64xf32> -> vector<8x64xf32>
    %convert_element_type3A_246 = arith.truncf %concatenate3A : vector<8x64xf32> to vector<8x64xbf16>
    %convert_element_type3A_247 = arith.truncf %transpose3A : vector<64x2048xf32> to vector<64x2048xbf16>
    %dot_general3A = arith.constant dense<0.000000e+00> : vector<8x2048xf32>
    %dot_general3A_248 = tpu.matmul %convert_element_type3A_246, %convert_element_type3A_247, %dot_general3A {dimension_numbers = #tpu.dot_dimension_numbers<[1], [0], [0], [1], [0, 0, 1, 1], [], []>, transpose_lhs_hint = false} : vector<8x64xbf16>, vector<64x2048xbf16>, vector<8x2048xf32> -> vector<8x2048xf32>
    %slice3A_249 = vector.extract_strided_slice %dot_general3A_248 {offsets = [0, 0], sizes = [1, 2048], strides = [1, 1]} : vector<8x2048xf32> to vector<1x2048xf32>
    %mul3A_250 = vector.broadcast %max3A_215 : vector<1x1xf32> to vector<1x2048xf32>
    %mul3A_251 = arith.mulf %max3A_244, %mul3A_250 : vector<1x2048xf32>
    %div3A_252 = arith.divf %slice3A_249, %mul3A_251 : vector<1x2048xf32>
    %add3A_253 = arith.constant 1.000000e+00 : f32
    %add3A_254 = vector.broadcast %add3A_253 : f32 to vector<1x2048xf32>
    %add3A_255 = arith.addf %div3A_252, %add3A_254 : vector<1x2048xf32>
    %div3A_256 = arith.constant 2.000000e+00 : f32
    %div3A_257 = vector.broadcast %div3A_256 : f32 to vector<1x2048xf32>
    %div3A_258 = arith.divf %add3A_255, %div3A_257 : vector<1x2048xf32>
    %gt3A = arith.constant 0.000000e+00 : f32
    %gt3A_259 = arith.cmpf ogt, %reduce_sum3A_20, %gt3A : f32
    %convert_element_type3A_260 = arith.extui %gt3A_259 : i1 to i32
    %convert_element_type3A_261 = arith.sitofp %convert_element_type3A_260 : i32 to f32
    %mul3A_262 = vector.broadcast %convert_element_type3A_261 : f32 to vector<1x2048xf32>
    %mul3A_263 = arith.mulf %div3A_258, %mul3A_262 : vector<1x2048xf32>
    %swap3A_264 = arith.constant 0 : index
    %swap3A_265 = arith.constant 0 : index
    %swap3A_266 = arith.constant 0 : index
    %swap3A_267 = vector.load %arg4[%swap3A_264, %swap3A_265, %swap3A_266] : memref<1x1x2048xf32, #tpu.memory_space<vmem>>, vector<1x1x2048xf32>
    %swap3A_268 = vector.shape_cast %swap3A_267 : vector<1x1x2048xf32> to vector<1x2048xf32>
    %swap3A_269 = vector.shape_cast %mul3A_263 : vector<1x2048xf32> to vector<1x1x2048xf32>
    tpu.vector_store %arg4[%swap3A_264, %swap3A_265, %swap3A_266], %swap3A_269 {strides = array<i32>} : memref<1x1x2048xf32, #tpu.memory_space<vmem>>, vector<1x1x2048xf32>,
    return
  }
  func.func @transform_0(%arg0: i32) -> (i32, i32, i32) {
    %c0_i32 = arith.constant 0 : i32
    %c0_i32_0 = arith.constant 0 : i32
    %c0_i32_1 = arith.constant 0 : i32
    return %arg0, %c0_i32, %c0_i32_0 : i32, i32, i32
  }
  func.func @transform_1(%arg0: i32) -> (i32, i32, i32) {
    %c0_i32 = arith.constant 0 : i32
    %c0_i32_0 = arith.constant 0 : i32
    %c0_i32_1 = arith.constant 0 : i32
    return %arg0, %c0_i32, %c0_i32_0 : i32, i32, i32
  }
  func.func @transform_2(%arg0: i32) -> (i32, i32, i32) {
    %c0_i32 = arith.constant 0 : i32
    %c0_i32_0 = arith.constant 0 : i32
    %c0_i32_1 = arith.constant 0 : i32
    return %arg0, %c0_i32, %c0_i32_0 : i32, i32, i32
  }
  func.func @transform_3(%arg0: i32) -> (i32, i32, i32) {
    %c0_i32 = arith.constant 0 : i32
    %c0_i32_0 = arith.constant 0 : i32
    %c0_i32_1 = arith.constant 0 : i32
    return %arg0, %c0_i32, %c0_i32_0 : i32, i32, i32
  }
  func.func @transform_4(%arg0: i32) -> (i32, i32, i32) {
    %c0_i32 = arith.constant 0 : i32
    %c0_i32_0 = arith.constant 0 : i32
    %c0_i32_1 = arith.constant 0 : i32
    return %arg0, %c0_i32, %c0_i32_0 : i32, i32, i32
  }
}

module attributes {stable_mosaic.version = 14 : i64} {
  func.func @_topk_body(%arg0: memref<16x2048xf32, #tpu.memory_space<vmem>>, %arg1: memref<16x256xf32, #tpu.memory_space<vmem>>, %arg2: memref<16x256xi32, #tpu.memory_space<vmem>>) attributes {dimension_semantics = [], scalar_prefetch = 0 : i64, scratch_operands = 0 : i64, tpu.core_type = #tpu.core_type<tc>} {
    %get3A = arith.constant 0 : index
    %get3A_0 = arith.constant 0 : index
    %get3A_1 = vector.load %arg0[%get3A, %get3A_0] : memref<16x2048xf32, #tpu.memory_space<vmem>>, vector<16x2048xf32>
    %iota3A = tpu.iota {dimensions = array<i32: 1>} : vector<16x2048xi32>
    %iota3A_2 = tpu.iota {dimensions = array<i32: 1>} : vector<16x256xi32>
    %broadcast_in_dim3A = arith.constant 0.000000e+00 : f32
    %broadcast_in_dim3A_3 = vector.broadcast %broadcast_in_dim3A : f32 to vector<16x256xf32>
    %broadcast_in_dim3A_4 = arith.constant 0 : i32
    %broadcast_in_dim3A_5 = vector.broadcast %broadcast_in_dim3A_4 : i32 to vector<16x256xi32>
    %scan3A = arith.constant 0 : i32
    %scan3A_6 = arith.constant 256 : i32
    %scan3A_7 = arith.addi %scan3A, %scan3A_6 : i32
    %scan3A_8 = arith.constant 1 : i32
    %scan3A_9:3 = scf.for %scan3A_16 = %scan3A to %scan3A_7 step %scan3A_8 iter_args(%scan3A_17 = %get3A_1, %scan3A_18 = %broadcast_in_dim3A_3, %scan3A_19 = %broadcast_in_dim3A_5) -> (vector<16x2048xf32>, vector<16x256xf32>, vector<16x256xi32>)  : i32 {
      %slice3A = vector.extract_strided_slice %scan3A_17 {offsets = [0, 0], sizes = [16, 128], strides = [1, 1]} : vector<16x2048xf32> to vector<16x128xf32>
      %slice3A_20 = vector.extract_strided_slice %scan3A_17 {offsets = [0, 128], sizes = [16, 128], strides = [1, 1]} : vector<16x2048xf32> to vector<16x128xf32>
      %slice3A_21 = vector.extract_strided_slice %scan3A_17 {offsets = [0, 256], sizes = [16, 128], strides = [1, 1]} : vector<16x2048xf32> to vector<16x128xf32>
      %slice3A_22 = vector.extract_strided_slice %scan3A_17 {offsets = [0, 384], sizes = [16, 128], strides = [1, 1]} : vector<16x2048xf32> to vector<16x128xf32>
      %slice3A_23 = vector.extract_strided_slice %scan3A_17 {offsets = [0, 512], sizes = [16, 128], strides = [1, 1]} : vector<16x2048xf32> to vector<16x128xf32>
      %slice3A_24 = vector.extract_strided_slice %scan3A_17 {offsets = [0, 640], sizes = [16, 128], strides = [1, 1]} : vector<16x2048xf32> to vector<16x128xf32>
      %slice3A_25 = vector.extract_strided_slice %scan3A_17 {offsets = [0, 768], sizes = [16, 128], strides = [1, 1]} : vector<16x2048xf32> to vector<16x128xf32>
      %slice3A_26 = vector.extract_strided_slice %scan3A_17 {offsets = [0, 896], sizes = [16, 128], strides = [1, 1]} : vector<16x2048xf32> to vector<16x128xf32>
      %slice3A_27 = vector.extract_strided_slice %scan3A_17 {offsets = [0, 1024], sizes = [16, 128], strides = [1, 1]} : vector<16x2048xf32> to vector<16x128xf32>
      %slice3A_28 = vector.extract_strided_slice %scan3A_17 {offsets = [0, 1152], sizes = [16, 128], strides = [1, 1]} : vector<16x2048xf32> to vector<16x128xf32>
      %slice3A_29 = vector.extract_strided_slice %scan3A_17 {offsets = [0, 1280], sizes = [16, 128], strides = [1, 1]} : vector<16x2048xf32> to vector<16x128xf32>
      %slice3A_30 = vector.extract_strided_slice %scan3A_17 {offsets = [0, 1408], sizes = [16, 128], strides = [1, 1]} : vector<16x2048xf32> to vector<16x128xf32>
      %slice3A_31 = vector.extract_strided_slice %scan3A_17 {offsets = [0, 1536], sizes = [16, 128], strides = [1, 1]} : vector<16x2048xf32> to vector<16x128xf32>
      %slice3A_32 = vector.extract_strided_slice %scan3A_17 {offsets = [0, 1664], sizes = [16, 128], strides = [1, 1]} : vector<16x2048xf32> to vector<16x128xf32>
      %slice3A_33 = vector.extract_strided_slice %scan3A_17 {offsets = [0, 1792], sizes = [16, 128], strides = [1, 1]} : vector<16x2048xf32> to vector<16x128xf32>
      %slice3A_34 = vector.extract_strided_slice %scan3A_17 {offsets = [0, 1920], sizes = [16, 128], strides = [1, 1]} : vector<16x2048xf32> to vector<16x128xf32>
      %max3A = arith.maximumf %slice3A, %slice3A_20 : vector<16x128xf32>
      %max3A_35 = arith.maximumf %slice3A_21, %slice3A_22 : vector<16x128xf32>
      %max3A_36 = arith.maximumf %slice3A_23, %slice3A_24 : vector<16x128xf32>
      %max3A_37 = arith.maximumf %slice3A_25, %slice3A_26 : vector<16x128xf32>
      %max3A_38 = arith.maximumf %slice3A_27, %slice3A_28 : vector<16x128xf32>
      %max3A_39 = arith.maximumf %slice3A_29, %slice3A_30 : vector<16x128xf32>
      %max3A_40 = arith.maximumf %slice3A_31, %slice3A_32 : vector<16x128xf32>
      %max3A_41 = arith.maximumf %slice3A_33, %slice3A_34 : vector<16x128xf32>
      %max3A_42 = arith.maximumf %max3A, %max3A_35 : vector<16x128xf32>
      %max3A_43 = arith.maximumf %max3A_36, %max3A_37 : vector<16x128xf32>
      %max3A_44 = arith.maximumf %max3A_38, %max3A_39 : vector<16x128xf32>
      %max3A_45 = arith.maximumf %max3A_40, %max3A_41 : vector<16x128xf32>
      %max3A_46 = arith.maximumf %max3A_42, %max3A_43 : vector<16x128xf32>
      %max3A_47 = arith.maximumf %max3A_44, %max3A_45 : vector<16x128xf32>
      %max3A_48 = arith.maximumf %max3A_46, %max3A_47 : vector<16x128xf32>
      %reduce_max3A = arith.constant dense<0xFF800000> : vector<16xf32>
      %reduce_max3A_49 = vector.multi_reduction <maximumf>, %max3A_48, %reduce_max3A [1] : vector<16x128xf32> to vector<16xf32>
      %broadcast_in_dim3A_50 = vector.shape_cast %reduce_max3A_49 : vector<16xf32> to vector<16x1xf32>
      %eq3A = vector.broadcast %broadcast_in_dim3A_50 : vector<16x1xf32> to vector<16x2048xf32>
      %eq3A_51 = arith.cmpf oeq, %scan3A_17, %eq3A : vector<16x2048xf32>
      %jit3A = arith.constant 2048 : i32
      %broadcast_in_dim3A_52 = vector.broadcast %jit3A : i32 to vector<16x2048xi32>
      %select_n3A = arith.select %eq3A_51, %iota3A, %broadcast_in_dim3A_52 : vector<16x2048xi1>, vector<16x2048xi32>
      %slice3A_53 = vector.extract_strided_slice %select_n3A {offsets = [0, 0], sizes = [16, 128], strides = [1, 1]} : vector<16x2048xi32> to vector<16x128xi32>
      %slice3A_54 = vector.extract_strided_slice %select_n3A {offsets = [0, 128], sizes = [16, 128], strides = [1, 1]} : vector<16x2048xi32> to vector<16x128xi32>
      %slice3A_55 = vector.extract_strided_slice %select_n3A {offsets = [0, 256], sizes = [16, 128], strides = [1, 1]} : vector<16x2048xi32> to vector<16x128xi32>
      %slice3A_56 = vector.extract_strided_slice %select_n3A {offsets = [0, 384], sizes = [16, 128], strides = [1, 1]} : vector<16x2048xi32> to vector<16x128xi32>
      %slice3A_57 = vector.extract_strided_slice %select_n3A {offsets = [0, 512], sizes = [16, 128], strides = [1, 1]} : vector<16x2048xi32> to vector<16x128xi32>
      %slice3A_58 = vector.extract_strided_slice %select_n3A {offsets = [0, 640], sizes = [16, 128], strides = [1, 1]} : vector<16x2048xi32> to vector<16x128xi32>
      %slice3A_59 = vector.extract_strided_slice %select_n3A {offsets = [0, 768], sizes = [16, 128], strides = [1, 1]} : vector<16x2048xi32> to vector<16x128xi32>
      %slice3A_60 = vector.extract_strided_slice %select_n3A {offsets = [0, 896], sizes = [16, 128], strides = [1, 1]} : vector<16x2048xi32> to vector<16x128xi32>
      %slice3A_61 = vector.extract_strided_slice %select_n3A {offsets = [0, 1024], sizes = [16, 128], strides = [1, 1]} : vector<16x2048xi32> to vector<16x128xi32>
      %slice3A_62 = vector.extract_strided_slice %select_n3A {offsets = [0, 1152], sizes = [16, 128], strides = [1, 1]} : vector<16x2048xi32> to vector<16x128xi32>
      %slice3A_63 = vector.extract_strided_slice %select_n3A {offsets = [0, 1280], sizes = [16, 128], strides = [1, 1]} : vector<16x2048xi32> to vector<16x128xi32>
      %slice3A_64 = vector.extract_strided_slice %select_n3A {offsets = [0, 1408], sizes = [16, 128], strides = [1, 1]} : vector<16x2048xi32> to vector<16x128xi32>
      %slice3A_65 = vector.extract_strided_slice %select_n3A {offsets = [0, 1536], sizes = [16, 128], strides = [1, 1]} : vector<16x2048xi32> to vector<16x128xi32>
      %slice3A_66 = vector.extract_strided_slice %select_n3A {offsets = [0, 1664], sizes = [16, 128], strides = [1, 1]} : vector<16x2048xi32> to vector<16x128xi32>
      %slice3A_67 = vector.extract_strided_slice %select_n3A {offsets = [0, 1792], sizes = [16, 128], strides = [1, 1]} : vector<16x2048xi32> to vector<16x128xi32>
      %slice3A_68 = vector.extract_strided_slice %select_n3A {offsets = [0, 1920], sizes = [16, 128], strides = [1, 1]} : vector<16x2048xi32> to vector<16x128xi32>
      %min3A = arith.minsi %slice3A_53, %slice3A_54 : vector<16x128xi32>
      %min3A_69 = arith.minsi %slice3A_55, %slice3A_56 : vector<16x128xi32>
      %min3A_70 = arith.minsi %slice3A_57, %slice3A_58 : vector<16x128xi32>
      %min3A_71 = arith.minsi %slice3A_59, %slice3A_60 : vector<16x128xi32>
      %min3A_72 = arith.minsi %slice3A_61, %slice3A_62 : vector<16x128xi32>
      %min3A_73 = arith.minsi %slice3A_63, %slice3A_64 : vector<16x128xi32>
      %min3A_74 = arith.minsi %slice3A_65, %slice3A_66 : vector<16x128xi32>
      %min3A_75 = arith.minsi %slice3A_67, %slice3A_68 : vector<16x128xi32>
      %min3A_76 = arith.minsi %min3A, %min3A_69 : vector<16x128xi32>
      %min3A_77 = arith.minsi %min3A_70, %min3A_71 : vector<16x128xi32>
      %min3A_78 = arith.minsi %min3A_72, %min3A_73 : vector<16x128xi32>
      %min3A_79 = arith.minsi %min3A_74, %min3A_75 : vector<16x128xi32>
      %min3A_80 = arith.minsi %min3A_76, %min3A_77 : vector<16x128xi32>
      %min3A_81 = arith.minsi %min3A_78, %min3A_79 : vector<16x128xi32>
      %min3A_82 = arith.minsi %min3A_80, %min3A_81 : vector<16x128xi32>
      %reduce_min3A = arith.constant dense<2147483647> : vector<16xi32>
      %reduce_min3A_83 = vector.multi_reduction <minsi>, %min3A_82, %reduce_min3A [1] : vector<16x128xi32> to vector<16xi32>
      %broadcast_in_dim3A_84 = vector.shape_cast %reduce_min3A_83 : vector<16xi32> to vector<16x1xi32>
      %eq3A_85 = vector.broadcast %scan3A_16 : i32 to vector<16x256xi32>
      %eq3A_86 = arith.cmpi eq, %iota3A_2, %eq3A_85 : vector<16x256xi32>
      %broadcast_in_dim3A_87 = vector.shape_cast %broadcast_in_dim3A_50 : vector<16x1xf32> to vector<16x1xf32>
      %broadcast_in_dim3A_88 = vector.broadcast %broadcast_in_dim3A_87 : vector<16x1xf32> to vector<16x256xf32>
      %select_n3A_89 = arith.select %eq3A_86, %broadcast_in_dim3A_88, %scan3A_18 : vector<16x256xi1>, vector<16x256xf32>
      %broadcast_in_dim3A_90 = vector.shape_cast %broadcast_in_dim3A_84 : vector<16x1xi32> to vector<16x1xi32>
      %broadcast_in_dim3A_91 = vector.broadcast %broadcast_in_dim3A_90 : vector<16x1xi32> to vector<16x256xi32>
      %select_n3A_92 = arith.select %eq3A_86, %broadcast_in_dim3A_91, %scan3A_19 : vector<16x256xi1>, vector<16x256xi32>
      %eq3A_93 = vector.broadcast %broadcast_in_dim3A_84 : vector<16x1xi32> to vector<16x2048xi32>
      %eq3A_94 = arith.cmpi eq, %iota3A, %eq3A_93 : vector<16x2048xi32>
      %jit3A_95 = arith.constant 0xFF800000 : f32
      %broadcast_in_dim3A_96 = vector.broadcast %jit3A_95 : f32 to vector<16x2048xf32>
      %select_n3A_97 = arith.select %eq3A_94, %broadcast_in_dim3A_96, %scan3A_17 : vector<16x2048xi1>, vector<16x2048xf32>
      scf.yield %select_n3A_97, %select_n3A_89, %select_n3A_92 : vector<16x2048xf32>, vector<16x256xf32>, vector<16x256xi32>
    }
    %scan3A_10 = arith.constant 256 : i32
    %swap3A = arith.constant 0 : index
    %swap3A_11 = arith.constant 0 : index
    %swap3A_12 = vector.load %arg1[%swap3A, %swap3A_11] : memref<16x256xf32, #tpu.memory_space<vmem>>, vector<16x256xf32>
    tpu.vector_store %arg1[%swap3A, %swap3A_11], %scan3A_9#1 {strides = array<i32>} : memref<16x256xf32, #tpu.memory_space<vmem>>, vector<16x256xf32>,
    %swap3A_13 = arith.constant 0 : index
    %swap3A_14 = arith.constant 0 : index
    %swap3A_15 = vector.load %arg2[%swap3A_13, %swap3A_14] : memref<16x256xi32, #tpu.memory_space<vmem>>, vector<16x256xi32>
    tpu.vector_store %arg2[%swap3A_13, %swap3A_14], %scan3A_9#2 {strides = array<i32>} : memref<16x256xi32, #tpu.memory_space<vmem>>, vector<16x256xi32>,
    return
  }
}

module attributes {stable_mosaic.version = 14 : i64} {
  func.func @_onehot_body(%arg0: i32, %arg1: i32, %arg2: memref<1x1x1x64xi32, #tpu.memory_space<vmem>>, %arg3: memref<1x1x1x64xf32, #tpu.memory_space<vmem>>, %arg4: memref<1x64x2048xf32, #tpu.memory_space<vmem>>) attributes {dimension_semantics = [#tpu.dimension_semantics<arbitrary>, #tpu.dimension_semantics<arbitrary>], iteration_bounds = array<i64: 16, 4>, scalar_prefetch = 0 : i64, scratch_operands = 0 : i64, tpu.core_type = #tpu.core_type<tc>, window_params = [{transform_indices = @transform_0, window_bounds = array<i64: 1, 1, 1, 64>}, {transform_indices = @transform_1, window_bounds = array<i64: 1, 1, 1, 64>}, {transform_indices = @transform_2, window_bounds = array<i64: 1, 64, 2048>}]} {
    %get3A = arith.constant 0 : index
    %get3A_0 = arith.constant 0 : index
    %get3A_1 = arith.constant 0 : index
    %get3A_2 = arith.constant 0 : index
    %get3A_3 = vector.load %arg2[%get3A, %get3A_0, %get3A_1, %get3A_2] : memref<1x1x1x64xi32, #tpu.memory_space<vmem>>, vector<1x1x1x64xi32>
    %get3A_4 = vector.shape_cast %get3A_3 : vector<1x1x1x64xi32> to vector<1x64xi32>
    %get3A_5 = arith.constant 0 : index
    %get3A_6 = arith.constant 0 : index
    %get3A_7 = arith.constant 0 : index
    %get3A_8 = arith.constant 0 : index
    %get3A_9 = vector.load %arg3[%get3A_5, %get3A_6, %get3A_7, %get3A_8] : memref<1x1x1x64xf32, #tpu.memory_space<vmem>>, vector<1x1x1x64xf32>
    %get3A_10 = vector.shape_cast %get3A_9 : vector<1x1x1x64xf32> to vector<1x64xf32>
    %reshape3A = vector.shape_cast %get3A_4 : vector<1x64xi32> to vector<64x1xi32>
    %reshape3A_11 = vector.shape_cast %get3A_10 : vector<1x64xf32> to vector<64x1xf32>
    %iota3A = tpu.iota {dimensions = array<i32: 1>} : vector<64x2048xi32>
    %eq3A = vector.broadcast %reshape3A : vector<64x1xi32> to vector<64x2048xi32>
    %eq3A_12 = arith.cmpi eq, %iota3A, %eq3A : vector<64x2048xi32>
    %gt3A = arith.constant 0.000000e+00 : f32
    %gt3A_13 = vector.broadcast %gt3A : f32 to vector<64x1xf32>
    %gt3A_14 = arith.cmpf ogt, %reshape3A_11, %gt3A_13 : vector<64x1xf32>
    %and3A = vector.broadcast %gt3A_14 : vector<64x1xi1> to vector<64x2048xi1>
    %and3A_15 = arith.andi %eq3A_12, %and3A : vector<64x2048xi1>
    %convert_element_type3A = arith.extui %and3A_15 : vector<64x2048xi1> to vector<64x2048xi32>
    %convert_element_type3A_16 = arith.sitofp %convert_element_type3A : vector<64x2048xi32> to vector<64x2048xf32>
    %swap3A = arith.constant 0 : index
    %swap3A_17 = arith.constant 0 : index
    %swap3A_18 = arith.constant 0 : index
    %swap3A_19 = vector.load %arg4[%swap3A, %swap3A_17, %swap3A_18] : memref<1x64x2048xf32, #tpu.memory_space<vmem>>, vector<1x64x2048xf32>
    %swap3A_20 = vector.shape_cast %swap3A_19 : vector<1x64x2048xf32> to vector<64x2048xf32>
    %swap3A_21 = vector.shape_cast %convert_element_type3A_16 : vector<64x2048xf32> to vector<1x64x2048xf32>
    tpu.vector_store %arg4[%swap3A, %swap3A_17, %swap3A_18], %swap3A_21 {strides = array<i32>} : memref<1x64x2048xf32, #tpu.memory_space<vmem>>, vector<1x64x2048xf32>,
    return
  }
  func.func @transform_0(%arg0: i32, %arg1: i32) -> (i32, i32, i32, i32) {
    %c0_i32 = arith.constant 0 : i32
    %c0_i32_0 = arith.constant 0 : i32
    %c0_i32_1 = arith.constant 0 : i32
    return %arg0, %arg1, %c0_i32, %c0_i32_0 : i32, i32, i32, i32
  }
  func.func @transform_1(%arg0: i32, %arg1: i32) -> (i32, i32, i32, i32) {
    %c0_i32 = arith.constant 0 : i32
    %c0_i32_0 = arith.constant 0 : i32
    %c0_i32_1 = arith.constant 0 : i32
    return %arg0, %arg1, %c0_i32, %c0_i32_0 : i32, i32, i32, i32
  }
  func.func @transform_2(%arg0: i32, %arg1: i32) -> (i32, i32, i32) {
    %c0_i32 = arith.constant 0 : i32
    %c0_i32_0 = arith.constant 0 : i32
    return %arg0, %arg1, %c0_i32 : i32, i32, i32
  }
}

</mosaic_0001>

<sc_bundles>
// kernel: gather_offload_async_start
scs
__scs_entry_jumppad:
0x0: {  	(pc) =	sbr.rel $0x88, $3  }
0x1: {  	(tag) =	ssettag $0x0;
	lr =	simm.s32 $0x1  }
0x2: {  	[smem:$0x3F9E] =	sst lr;
	_ =	strace $0xD0000000  }
0x3: {  	_ = 	snop  }
0x4: {  	_ = 	snop  }
0x5: {  	_ = 	snop  }
0x6: {  	_ = 	snop  }
0x7: {  	_ = 	snop  }
__scs_overlays_trampoline_lowered:
0x8: {  	[smem:$0x3FAD] =	sst s0  }
0x9: {  	[smem:$0x3FAE] =	sst s1  }
0xa: {  	[smem:$0x3FAF] =	sst s2  }
0xb: {  	[smem:$0x3FB0] =	sst s3  }
0xc: {  	[smem:$0x3FB1] =	sst s4  }
0xd: {  	[smem:$0x3FB2] =	sst s5  }
0xe: {  	[smem:$0x3FB3] =	sst s6  }
0xf: {  	[smem:$0x3FB4] =	sst s7  }
0x10: {  	[smem:$0x3FB5] =	sst s8  }
0x11: {  	[smem:$0x3FB6] =	sst s9;
	s0 =	simm.s32 @!p0 $0x0  }
0x12: {  	s1 =	sld [smem:$0x3F9C];
	s0 =	simm.s32 @p0 $0x1  }
0x13: {  	[smem:$0x3FB7] =	sst s0;
	s0 =	simm.s32 @!p1 $0x0  }
0x14: {  	s2 =	sld [smem:$0x3F9B];
	s0 =	simm.s32 @p1 $0x1  }
0x15: {  	[smem:$0x3FB8] =	sst s0;
	s0 =	simm.s32 @!p2 $0x0  }
0x16: {  	s3 =	sld [smem:$0x3FDB];
	s0 =	simm.s32 @p2 $0x1  }
0x17: {  	s4 =	simm.s32 $0x1BF5;
	[smem:$0x3FBA] =	sst s0  }
0x18: {  	s0 =	sld [smem:$0x3F9D];
	_ =	swait.ge [sflag:s4], $0x0  }
0x19: {  	s7 =	sld [smem:$0x3F9E]  }
0x1a: {  	s8 =	sadd.s32 $0xFFFFE003, lr  }
0x1b: {  	s9 =	sadd.s32 $0xFFFFFEF7, lr;
	s5 =	simm.s32 $0xFFFFFFFF;
	p2 =	slt.u32 s8, $0xFFFFF086  }
0x1c: {  	p1 =	slt.u32 s9, $0xF7A;
	s5 =	simm.s32 @!p2 $0x0  }
0x1d: {  	s5 =	simm.s32 @p1 $0x1;
	p0 =	seq.s32 s7, s2  }
0x1e: {  	s7 =	smul.u32 @!p0 $0xF7A, s2;
	p2 =	seq.s32 @!p0 s5, $0x0  }
0x1f: {  	s9 =	smul.u32 $0xF7A, s1;
	s8 =	simm.s32 @!p0 $0x1BF5;
	p2 =	por !p2, p0  }
0x20: {  	[sflag:s8] =	ssyncset.s32 @!p0 $0xFFFFF086;
	s6 =	sadd.s32 @!p0 s3, s7;
	s7 =	simm.s32 @!p0 $0x108  }
0x21: {  	s3 =	sadd.s32 s3, s9;
	s6 =	sadd.s32 @!p0 $0x88, s6;
	s7 =	simm.s32 @p2 $0x1082  }
0x22: {  	[simem:s7], [sflag:s8] =	dma.local @!p0 [hbm:s6], $0xF7A  }
0x23: {  	s9 =	sor.u32 $0xD0000000, s2;
	s6 =	simm.s32 $0x108;
	_ =	swait.ge @!p0 [sflag:s8], $0x0  }
0x24: {  	s3 =	sadd.s32 $0x88, s3;
	s6 =	simm.s32 @!p1 $0x1082;
	[sflag:s4] =	ssyncset.s32 $0xFFFFF086  }
0x25: {  	[simem:s6], [sflag:s4] =	dma.local [hbm:s3], $0xF7A  }
0x26: {  	[smem:$0x3F9E] =	sst s1;
	(tag) =	ssettag s2;
	_ =	strace s9  }
0x27: {  	s1 =	sld [smem:$0x3FAE]  }
0x28: {  	s2 =	sld [smem:$0x3FAF]  }
0x29: {  	s4 =	sld [smem:$0x3FB1]  }
0x2a: {  	p0 =	seq.s32 s5, $0x0;
	s5 =	sld [smem:$0x3FB2]  }
0x2b: {  	s6 =	sld [smem:$0x3FB3]  }
0x2c: {  	s7 =	sld [smem:$0x3FB4]  }
0x2d: {  	s3 =	simm.s32 $0x108;
	s8 =	sld [smem:$0x3FB5]  }
0x2e: {  	s3 =	simm.s32 @!p0 $0x1082;
	s9 =	sld [smem:$0x3FB6]  }
0x2f: {  	lr =	sadd.s32 s0, s3;
	s0 =	sld [smem:$0x3FAD]  }
0x30: {  	s3 =	sld [smem:$0x3FB0]  }
0x31: {  	[smem:$0x3FB9] =	sst s10  }
0x32: {  	s10 =	sld [smem:$0x3FB7];
	_ =	sdelay $0x3  }
0x33: {  	p0 =	seq.s32 s10, $0x1;
	s10 =	sld [smem:$0x3FB9];
	_ =	sdelay $0x3  }
0x34: {  	[smem:$0x3FB9] =	sst s10  }
0x35: {  	s10 =	sld [smem:$0x3FB8];
	_ =	sdelay $0x3  }
0x36: {  	p1 =	seq.s32 s10, $0x1;
	s10 =	sld [smem:$0x3FB9];
	_ =	sdelay $0x3  }
0x37: {  	[smem:$0x3FB9] =	sst s10  }
0x38: {  	s10 =	sld [smem:$0x3FBA]  }
0x39: {  	_ = 	snop;
	(pc) =	sbr.ind lr, $3  }
0x3a: {  	_ = 	snop  }
0x3b: {  	_ = 	snop  }
0x3c: {  	p2 =	seq.s32 s10, $0x1;
	s10 =	sld [smem:$0x3FB9]  }
0x3d: {  	_ =	shalt  }
0x3e: {  	_ =	shalt  }
0x3f: {  	_ =	shalt  }
0x40: {  	_ =	shalt  }
0x41: {  	_ =	shalt  }
0x42: {  	_ =	shalt  }
0x43: {  	_ =	shalt  }
0x44: {  	_ =	shalt  }
0x45: {  	_ =	shalt  }
0x46: {  	_ =	shalt  }
0x47: {  	_ =	shalt  }
0x48: {  	_ =	shalt  }
0x49: {  	_ =	shalt  }
0x4a: {  	_ =	shalt  }
0x4b: {  	_ =	shalt  }
0x4c: {  	_ =	shalt  }
0x4d: {  	_ =	shalt  }
0x4e: {  	_ =	shalt  }
0x4f: {  	_ =	shalt  }
0x50: {  	_ =	shalt  }
0x51: {  	_ =	shalt  }
0x52: {  	_ =	shalt  }
0x53: {  	_ =	shalt  }
0x54: {  	_ =	shalt  }
0x55: {  	_ =	shalt  }
0x56: {  	_ =	shalt  }
0x57: {  	_ =	shalt  }
0x58: {  	_ =	shalt  }
0x59: {  	_ =	shalt  }
0x5a: {  	_ =	shalt  }
0x5b: {  	_ =	shalt  }
0x5c: {  	_ =	shalt  }
0x5d: {  	_ =	shalt  }
0x5e: {  	_ =	shalt  }
0x5f: {  	_ =	shalt  }
0x60: {  	_ =	shalt  }
0x61: {  	_ =	shalt  }
0x62: {  	_ =	shalt  }
0x63: {  	_ =	shalt  }
0x64: {  	_ =	shalt  }
0x65: {  	_ =	shalt  }
0x66: {  	_ =	shalt  }
0x67: {  	_ =	shalt  }
0x68: {  	_ =	shalt  }
0x69: {  	_ =	shalt  }
0x6a: {  	_ =	shalt  }
0x6b: {  	_ =	shalt  }
0x6c: {  	_ =	shalt  }
0x6d: {  	_ =	shalt  }
0x6e: {  	_ =	shalt  }
0x6f: {  	_ =	shalt  }
0x70: {  	_ =	shalt  }
0x71: {  	_ =	shalt  }
0x72: {  	_ =	shalt  }
0x73: {  	_ =	shalt  }
0x74: {  	_ =	shalt  }
0x75: {  	_ =	shalt  }
0x76: {  	_ =	shalt  }
0x77: {  	_ =	shalt  }
0x78: {  	_ =	shalt  }
0x79: {  	_ =	shalt  }
0x7a: {  	_ =	shalt  }
0x7b: {  	_ =	shalt  }
0x7c: {  	_ =	shalt  }
0x7d: {  	_ =	shalt  }
0x7e: {  	_ =	shalt  }
0x7f: {  	_ =	shalt  }
0x80: {  	_ =	shalt  }
0x81: {  	_ =	shalt  }
0x82: {  	_ =	shalt  }
0x83: {  	_ =	shalt  }
0x84: {  	_ =	shalt  }
0x85: {  	_ =	shalt  }
0x86: {  	_ =	shalt  }
0x87: {  	_ =	shalt  }
.Lfunc_end0:
.L_simem_size_0:
called_computation_lowered:
.L_overlay_start_0:
0x88: {  	s2 =	sld [smem:$0x3FD9]  }
0x89: {  	s3 =	sld [smem:$0x3FFE];
	_ =	sdelay $0x1  }
0x8a: {  	s1 =	srdreg.scid  }
0x8b: {  	s0 =	sand.u32 $0x1, s1  }
0x8c: {  	s15 =	sshll.u32 s0, $0xA;
	s2 =	sadd.s32 s3, s2  }
0x8d: {  	s2 =	sadd.s32 s2, s15  }
0x8e: {  	[smem:$0x3FC5] =	sst s2  }
0x8f: {  	_ = 	snop  }
0x90: {  	s2 =	sld [smem:$0x3FD0];
	_ =	sdelay $0x2  }
0x91: {  	s16 =	simm.s32 $0xA;
	s4 =	simm.s32 $0x10  }
0x92: {  	[smem:s4], [sflag:s16] =	dma.local [hbm:s2], $0x1  }
0x93: {  	_ =	swait.eq [sflag:s16], $0x1  }
0x94: {  	s17 =	sld [smem:$0x10];
	[sflag:s16] =	ssyncset.done $0x0  }
0x95: {  	s18 =	sld [smem:$0x12];
	[sflag:s16] =	ssyncadd.s32 $0xFFFFFFFF  }
0x96: {  	s19 =	sld [smem:$0x13];
	(tm) =	ssettm $0x1  }
0x97: {  	s5 =	sld [smem:$0x3FFB];
	_ =	sdelay $0x3  }
0x98: {  	_ =	strace s5  }
0x99: {  	s5 =	sld [smem:$0x3FFC];
	_ =	sdelay $0x3  }
0x9a: {  	_ =	strace s5  }
0x9b: {  	s5 =	sld [smem:$0x3FFD];
	_ =	sdelay $0x3  }
0x9c: {  	_ =	strace s5  }
0x9d: {  	_ =	strace $0x8FFFFFFF  }
0x9e: {  	s20 =	sld [smem:$0x3FDB];
	_ =	sdelay $0x1  }
0x9f: {  	s6 =	simm.s32 $_scs_section_size  }
0xa0: {  	s7 =	simm.s32 $_size__tile_overlayer_lowered;
	s8 =	simm.s32 $_tile_overlayer_lowered  }
0xa1: {  	s23 =	simm.s32 $0x1BFF;
	s22 =	sshll.u32 s8, $0x1;
	s5 =	sadd.s32 s6, s20  }
0xa2: {  	s9 =	simm.s32 $0x0;
	s21 =	sshll.u32 s7, $0x1;
	s7 =	sadd.s32 s22, s5  }
0xa3: {  	[timem:s9], [sflag:s23] =	dma.local [hbm:s7], s21  }
0xa4: {  	_ =	swait.ge [sflag:s23], s21  }
0xa5: {  	s6 =	ssub.s32 $0x0, s21;
	[sflag:s23] =	ssyncset.done $0x0  }
0xa6: {  	[sflag:s23] =	ssyncadd.s32 s6;
	_ =	sdelay $0x1  }
0xa7: {  	s24 =	simm.s32 $0x1B8B  }
0xa8: {  	_ =	swait.ge [sflag:s24], $0x1  }
0xa9: {  	[sflag:s24] =	ssyncset.done $0x0  }
0xaa: {  	s25 =	simm.s32 $0x1B8E;
	[sflag:s24] =	ssyncadd.s32 $0xFFFFFFFF  }
0xab: {  	s26 =	simm.s32 $execute0_lowered;
	[smem:$0x3FD2] =	sst s25  }
0xac: {  	s6 =	sshll.u32 s26, $0x1;
	_ =	strace $0x80000046;
	[dreg:$0x1] =	wrdreg $0xFFFFFFFF  }
0xad: {  	s28 =	simm.s32 $_size_execute0_lowered;
	s5 =	sadd.s32 s5, s6;
	[dreg:$0x0] =	wrdreg $0x0  }
0xae: {  	s6 =	sshll.u32 s28, $0x1;
	[dreg:$0x2] =	wrdreg s5  }
0xaf: {  	[dreg:$0x3] =	wrdreg s6  }
0xb0: {  	[dreg:$0x4] =	wrdreg $0xC0  }
0xb1: {  	_ =	task [dreg:s9], $0x5FFFF  }
0xb2: {  	[dreg:$0x1] =	wrdreg $0xFFFFFFFF  }
0xb3: {  	[dreg:$0x0] =	wrdreg $0x60  }
0xb4: {  	[dreg:$0x2] =	wrdreg s17  }
0xb5: {  	[dreg:$0x3] =	wrdreg s18  }
0xb6: {  	[dreg:$0x4] =	wrdreg s19  }
0xb7: {  	[dreg:$0x5] =	wrdreg $0x9  }
0xb8: {  	_ =	task.clear_ibuf [dreg:s9], $0x6FFFF;
	_ =	strace $0x90000046  }
0xb9: {  	s29 =	simm.s32 $0x9;
	_ =	strace $0x80000048  }
0xba: {  	_ =	swait.ge [sflag:s29], $0x1  }
0xbb: {  	[sflag:s29] =	ssyncadd.s32 $0xFFFFFFFF  }
0xbc: {  	_ =	strace $0x90000048  }
0xbd: {  	_ =	sfence  }
0xbe: {  	s30 =	sld [smem:$0x0];
	_ =	sdelay $0x2  }
0xbf: {  	s31 =	sshll.u32 s1, $0xD;
	s1 =	sshrl.u32 s1, $0x2  }
0xc0: {  	s3 =	sand.u32 $0x4000, s31;
	s1 =	sadd.s32 s1, s30  }
0xc1: {  	s0 =	sor.u32 s3, s0;
	s1 =	sshll.u32 s1, $0x11  }
0xc2: {  	s0 =	sor.u32 s1, s0  }
0xc3: {  	s0 =	sadd.s32 $0x8F2B, s0  }
0xc4: {  	[sflag:s0] =	ssyncadd.remote.s32 $0x1  }
0xc5: {  	_ =	sfence.sel $0xFFFF  }
0xc6: {  	[dreg:$0x0] =	wrdreg $0xFFFFFFFF;
	(pc) =	sbr.abs _section_cstart, $3  }
0xc7: {  	[dreg:$0x1] =	wrdreg $0xFFFFFFFF  }
0xc8: {  	_ =	task.clear_ibuf [dreg:s9], $0x2FFFF;
	_ =	strace $0x9FFFFFFF  }
0xc9: {  	(tm) =	ssettm $0x7FFFFFFF  }
tec
execute0_lowered:
.L_overlay_start_1:
0x0: {  	(tag) =	ssettag $0x1  }
0x1: {  	s2 =	rddreg [dreg:$0x0]  }
0x2: {  	s3 =	rddreg [dreg:$0x1]  }
0x3: {  	s4 =	rddreg [dreg:$0x2]  }
0x4: {  	s0 =	rddreg [dreg:$0x3];
	s1 =	srdreg.scid  }
0x5: {  	_ =	strace $0x80000047;
	s5 =	simm.s32 $0x1;
	s6 =	sshll.u32 s1, $0x4  }
.Ltmp0:
0x6: {  	s1 =	stileid.u32;
	s6 =	sand.u32 $0x10, s6;
	(pc) =	sbr.rel .LBB2_1-.Ltmp0, $4  }
0x7: {  	s9 =	simm.s32 $0x3;
	s12 =	simm.s32 $0x0;
	s7 =	sor.u32 s1, s6  }
0x8: {  	[sflag:s5] =	ssyncpa.u1 $0x0;
	s6 =	simm.s32 $0x2;
	s7 =	sshll.u32 s7, $0x8  }
0x9: {  	s10 =	simm.s32 $0x0;
	[sflag:s6] =	ssyncpa.u1 $0x0;
	s8 =	sadd.s32 $0x100, s7  }
0xa: {  	vm0 =	vmmov $0xff;
	vm1 =	vcmask $0x3F20;
	[sflag:s9] =	ssyncpa.u1 $0x0;
	s9 =	simm.s32 $0x100;
	s11 =	smov.u32 s7  }
.LBB2_9:
0xb: {  	p0 =	seq.s32 s10, $0x2  }
.Ltmp1:
0xc: {  	_ = 	snop;
	(pc) =	sbr.rel @p0 .LBB2_11-.Ltmp1, $1  }
0xd: {  	_ =	sdelay $0x3  }
.LBB2_10:
0xe: {  	s12 =	sadd.s32 $0x100, s11  }
0xf: {  	s13 =	smov.u32 s7;
	p0 =	slt.s32 s12, s8  }
0x10: {  	s13 =	smov.u32 @p0 s12  }
0x11: {  	s10 =	sadd.s32 $0x1, s10;
	s12 =	smov.u32 s11;
	s11 =	smov.u32 s13  }
.LBB2_1:
0x12: {  	p0 =	sne.s32 s10, $0x0  }
.Ltmp2:
0x13: {  	_ = 	snop;
	(pc) =	sbr.rel @!p0 .LBB2_2-.Ltmp2, $1  }
0x14: {  	_ =	sdelay $0x3  }
0x15: {  	s13 =	sand.u32 $0x1, s10  }
0x16: {  	p0 =	seq.s32 s13, $0x0  }
.Ltmp3:
0x17: {  	_ = 	snop;
	(pc) =	sbr.rel @p0 .LBB2_9-.Ltmp3, $1  }
0x18: {  	_ =	sdelay $0x3  }
0x19: {  	_ =	swait.ge [sflag:s6], $0x100  }
0x1a: {  	[sflag:s6] =	ssyncset.done $0x0  }
0x1b: {  	s13 =	simm.s32 $0x0;
	[sflag:s6] =	ssyncadd.s32 $0xFFFFFF00  }
0x1c: {  	v0 =	vld.msk [tilespmem:s13+$0x100 ss:$0x1], $0xffff;
	_ =	sdelay $0x4  }
0x1d: {  	v1 =	vshll.u32 v0, $0x3  }
0x1e: {  	vm2 =	veq.s32 v0, $0x80000000;
	v0 =	vshll.u32 v0, $0x12;
	v1 =	vand.u32 $0x3FF80, v1  }
0x1f: {  	v0 =	vand.u32 $0x3C0000, v0;
	v1 =	vsel vm2, $0xFFFFFF80, v1  }
0x20: {  	v0 =	vsel vm2, $0xFFFC0000, v0;
	v2 =	vand.u32 $0xFFFFFC00, v1  }
0x21: {  	v1 =	vand.u32 $0x380, v1;
	v0 =	vadd.s32 v0, v2  }
0x22: {  	v0 =	vor.u32 v1, v0  }
0x23: {  	v0 =	vshrl.u32 v0, $0x3;
	_ =	sdelay $0x3  }
0x24: {  	s13 =	simm.s32 $0x8200  }
0x25: {  	[tilespmem:s13], [sflag:$0x1] =	stream.indirect_vreg.gather [hbm:s2], $0x80, v0, vm0, $0x38;
	[tilespmem:$0x10200] =	vst v63  }
0x26: {  	s14 =	simm.s32 $0x8600;
	s31 =	simm.s32 $0x10  }
0x27: {  	[tilespmem:s14], [sflag:$0x1] =	stream.indirect_vreg.gather [hbm:s2], $0x80, v0, vm1, $0x38;
	[tilespmem:$0x10200] =	vst v63  }
0x28: {  	s14 =	simm.s32 $0x80;
	v0 =	vld.msk [tilespmem:s31+$0x100 ss:$0x1], $0xffff  }
.LBB2_5:
0x29: {  	p0 =	sne.s32 s14, $0x3C0;
	_ =	sdelay $0x4  }
0x2a: {  	v1 =	vshll.u32 v0, $0x3  }
0x2b: {  	vm2 =	veq.s32 v0, $0x80000000;
	v0 =	vshll.u32 v0, $0x12;
	v1 =	vand.u32 $0x3FF80, v1  }
0x2c: {  	v0 =	vand.u32 $0x3C0000, v0;
	v1 =	vsel vm2, $0xFFFFFF80, v1  }
0x2d: {  	v0 =	vsel vm2, $0xFFFC0000, v0;
	v2 =	vand.u32 $0xFFFFFC00, v1  }
0x2e: {  	v1 =	vand.u32 $0x380, v1;
	v0 =	vadd.s32 v0, v2  }
0x2f: {  	v0 =	vor.u32 v1, v0  }
0x30: {  	v0 =	vshrl.u32 v0, $0x3;
	_ =	sdelay $0x3  }
.Ltmp4:
0x31: {  	s13 =	sadd.s32 $0x800, s13;
	(pc) =	sbr.rel @p0 .LBB2_5-.Ltmp4, $4  }
0x32: {  	[tilespmem:s13], [sflag:$0x1] =	stream.indirect_vreg.gather [hbm:s2], $0x80, v0, vm0, $0x38;
	[tilespmem:$0x10200] =	vst v63  }
0x33: {  	s15 =	sshra.s32 s14, $0x2;
	s16 =	sadd.s32 $0x400, s13  }
0x34: {  	[tilespmem:s16], [sflag:$0x1] =	stream.indirect_vreg.gather [hbm:s2], $0x80, v0, vm1, $0x38;
	[tilespmem:$0x10200] =	vst v63  }
0x35: {  	s14 =	sadd.s32 $0x40, s14;
	v0 =	vld.msk [tilespmem:s15+$0x100 ss:$0x1], $0xffff  }
0x36: {  	_ =	sdelay $0x3  }
0x37: {  	v1 =	vshll.u32 v0, $0x3  }
0x38: {  	vm2 =	veq.s32 v0, $0x80000000;
	v63 =	vshll.u32 v0, $0x12;
	v1 =	vand.u32 $0x3FF80, v1  }
0x39: {  	v0 =	vand.u32 $0x3C0000, v63;
	v1 =	vsel vm2, $0xFFFFFF80, v1  }
0x3a: {  	v0 =	vsel vm2, $0xFFFC0000, v0;
	v2 =	vand.u32 $0xFFFFFC00, v1  }
0x3b: {  	v1 =	vand.u32 $0x380, v1;
	v0 =	vadd.s32 v0, v2  }
0x3c: {  	v0 =	vor.u32 v1, v0  }
0x3d: {  	v0 =	vshrl.u32 v0, $0x3;
	_ =	sdelay $0x3  }
0x3e: {  	s13 =	sadd.s32 $0x800, s13  }
0x3f: {  	[tilespmem:s13], [sflag:$0x1] =	stream.indirect_vreg.gather [hbm:s2], $0x80, v0, vm0, $0x38;
	[tilespmem:$0x10200] =	vst v63  }
0x40: {  	s13 =	sadd.s32 $0x400, s13  }
0x41: {  	[tilespmem:s13], [sflag:$0x1] =	stream.indirect_vreg.gather [hbm:s2], $0x80, v0, vm1, $0x38;
	[tilespmem:$0x10200] =	vst v63  }
0x42: {  	s12 =	sshll.u32 s12, $0x4;
	s14 =	simm.s32 $0x80;
	_ =	swait.ge [sflag:s5], $0x8000  }
0x43: {  	s15 =	simm.s32 $0x8600;
	s12 =	sadd.s32 s12, s4;
	[sflag:s5] =	ssyncset.done $0x0  }
0x44: {  	s16 =	sadd.s32 $0x0, s12;
	s13 =	simm.s32 $0x8200;
	[sflag:s5] =	ssyncadd.s32 $0xFFFF8000  }
.LBB2_7:
0x45: {  	[hbm:s16] =	stream.linear.scatter [tilespmem:s13], [sflag:$0x3], $0x400, $0x38;
	[tilespmem:$0x10200] =	vst v63  }
0x46: {  	s16 =	smov.u32 s14;
	s13 =	smov.u32 s15;
	p0 =	sne.s32 s14, $0xF80  }
.Ltmp5:
0x47: {  	s14 =	sadd.s32 $0x80, s14;
	(pc) =	sbr.rel @p0 .LBB2_7-.Ltmp5, $2  }
0x48: {  	_ =	sdelay $0x2  }
0x49: {  	s15 =	sadd.s32 $0x400, s15;
	s16 =	sadd.s32 s16, s12  }
.Ltmp6:
0x4a: {  	(pc) =	sbr.rel .LBB2_9-.Ltmp6, $2  }
0x4b: {  	_ =	sdelay $0x2  }
0x4c: {  	[hbm:s16] =	stream.linear.scatter [tilespmem:s13], [sflag:$0x3], $0x400, $0x38;
	[tilespmem:$0x10200] =	vst v63  }
.LBB2_2:
.Ltmp7:
0x4d: {  	(pc) =	sbr.rel .LBB2_10-.Ltmp7, $4  }
0x4e: {  	_ = 	snop  }
0x4f: {  	s12 =	sshrl.u32 s11, $0x3  }
0x50: {  	s13 =	sand.u32 $0x7, s11;
	s12 =	sadd.s32 s3, s12  }
0x51: {  	[tilespmem:s9], [sflag:$0x2] =	stream.linear.gather [hbm4b:s12+s13], $0x100, $0x38;
	[tilespmem:$0x10200] =	vst v63  }
.LBB2_11:
0x52: {  	s2 =	simm.s32 $0x3  }
0x53: {  	_ =	swait.ge [sflag:s2], $0x8000  }
0x54: {  	[sflag:s2] =	ssyncset.done $0x0  }
0x55: {  	[sflag:s2] =	ssyncadd.s32 $0xFFFF8000  }
0x56: {  	_ =	sfence.sel $0x180000  }
0x57: {  	s3 =	simm.s32 $0x2;
	[bflag:$0x0] =	sbarrier.arrive $0xFFFF  }
0x58: {  	[sflag:s3] =	ssyncpa.u1 $0x1  }
0x59: {  	s31 =	simm.s32 $0x1;
	[sflag:s2] =	ssyncpa.u1 $0x1  }
0x5a: {  	[sflag:s31] =	ssyncpa.u1 $0x1  }
0x5b: {  	p0 =	sne.s32 s1, $0x0;
	_ =	strace $0x90000047  }
0x5c: {  	s0 =	sadd.s32 @!p0 $0x100000, s0;
	[bflag:$0x2] =	sbarrier.arrive $0xFFFF  }
0x5d: {  	[sflag:s0] =	ssyncadd.tile.s32 @!p0 $0x1;
	_ =	shalt  }
.Lfunc_end2:
_tile_overlayer_lowered:
.L_overlay_start_2:
0x5e: {  	(tag) =	ssettag $0x2  }
0x5f: {  	s0 =	rddreg [dreg:$0x0];
	s2 =	stileid.u32  }
0x60: {  	s1 =	rddreg [dreg:$0x1];
	p0 =	sne.s32 s2, $0x0  }
0x61: {  	s3 =	rddreg [dreg:$0x2];
	[bflag:$0x3] =	sbarrier.arrive $0xFFFF;
	s2 =	simm.s32 @!p0 $0x1C01  }
0x62: {  	[timem:s3], [sflag:s2] =	dma.local @!p0 [hbm:s0], s1  }
0x63: {  	s0 =	simm.s32 @!p0 $0x1  }
0x64: {  	_ =	swait.ge @!p0 [sflag:s0], s1  }
0x65: {  	s1 =	ssub.s32 @!p0 $0x0, s1;
	[sflag:s0] =	ssyncset.done @!p0 $0x0  }
0x66: {  	[sflag:s0] =	ssyncadd.s32 @!p0 s1  }
0x67: {  	[bflag:$0x3] =	sbarrier.arrive $0xFFFF  }
0x68: {  	_ =	shalt  }

</sc_bundles>
